<compile_context>
chip_gen: v7x
topology: tpu7x:2x2x1
jax: 0.10.2.dev20260603
libtpu: 0.0.44.dev20260713+nightly
codegen_flags: <defaults>
</compile_context>

<pallas_src>
import functools

import jax
import jax.numpy as jnp
from jax import lax
from jax.experimental import pallas as pl
from jax.experimental.pallas import tpu as pltpu
from jax.experimental.pallas import tpu_sc as plsc

N = 10000
D = 128
NPAD = 10240
E = 320000
NC, NS = 2, 16
NW = NC * NS
CHUNK = 128
K = 1
NB = 2
HALVES = 2
GRAN = CHUNK * K * HALVES
EPW = ((E // NW + GRAN - 1) // GRAN) * GRAN
EPAD = EPW * NW
NCHUNK = EPW // CHUNK
NCH = NCHUNK // HALVES
RPT = NPAD // NS


def _zero_f32(ref, n):
    def body(i, _):
        ref[pl.ds(i * 16, 16)] = jnp.zeros((16,), jnp.float32)
        return 0
    lax.fori_loop(0, n // 16, body, 0)


def _sc_aggregate(x_hbm, src_hbm, dst_hbm, acc_out, cnt_out,
                  acc_sh, cnt_sh, rows_v, sidx_v, didx_v, ones_v, cbuf_v,
                  gsem0, gsem1, ssem0, ssem1, csem0, csem1):
    cid = lax.axis_index("c")
    sid = lax.axis_index("s")
    wid = cid * NS + sid
    base_w = pl.multiple_of(wid * EPW, CHUNK)
    bufs = ((0, gsem0, ssem0, csem0), (1, gsem1, ssem1, csem1))

    def zrow(r, _):
        for c in range(D // 16):
            rows_v[0, 0, r, pl.ds(c * 16, 16)] = jnp.zeros((16,), jnp.float32)
        return 0
    lax.fori_loop(0, CHUNK, zrow, 0)
    _zero_f32(cbuf_v, RPT)

    def zones(i, _):
        ones_v[pl.ds(i * 16, 16)] = jnp.ones((16,), jnp.float32)
        return 0
    lax.fori_loop(0, CHUNK // 16, zones, 0)

    for k in range(RPT // CHUNK):
        pltpu.sync_copy(rows_v.at[0, 0],
                        acc_sh.at[pl.ds(sid * RPT + k * CHUNK, CHUNK)])
    pltpu.sync_copy(cbuf_v, cnt_sh.at[pl.ds(sid * RPT, RPT)])
    plsc.subcore_barrier()

    def fire_gathers(g, b, gs):
        for k in range(K):
            idx = sidx_v.at[pl.ds((g * K + k) * CHUNK, CHUNK)]
            pltpu.async_copy(x_hbm.at[idx], rows_v.at[b, k], gs)

    def wait_gathers(b, gs):
        for k in range(K):
            pltpu.make_async_copy(x_hbm.at[pl.ds(0, CHUNK)],
                                  rows_v.at[b, k], gs).wait()

    def fire_scatters(g, b, ss, cs):
        rh, ch = [], []
        for k in range(K):
            didx = didx_v.at[g * K + k]
            rh.append(pltpu.async_copy(rows_v.at[b, k], acc_sh.at[didx], ss,
                                       add=True))
            ch.append(pltpu.async_copy(ones_v, cnt_sh.at[didx], cs, add=True))
        return rh, ch

    G = NCH // K
    T = G // NB

    def pipe_body(t, _):
        for b, gs, ss, cs in bufs:
            g = NB * t + b
            wait_gathers(b, gs)
            rh, ch = fire_scatters(g, b, ss, cs)
            for cp in rh:
                cp.wait()
            fire_gathers(g + NB, b, gs)
            for cp in ch:
                cp.wait()
        return 0

    for half in range(HALVES):
        pltpu.sync_copy(
            src_hbm.at[pl.ds(base_w + half * (EPW // HALVES), EPW // HALVES)],
            sidx_v)
        pltpu.sync_copy(
            dst_hbm.at[pl.ds(wid * NCHUNK + half * NCH, NCH)], didx_v)
        for b, gs, _, _ in bufs:
            fire_gathers(b, b, gs)
        lax.fori_loop(0, T - 1, pipe_body, 0)
        for b, gs, ss, cs in bufs:
            wait_gathers(b, gs)
            rh, ch = fire_scatters(G - NB + b, b, ss, cs)
            for cp in rh + ch:
                cp.wait()

    plsc.subcore_barrier()

    pltpu.sync_copy(acc_sh.at[pl.ds(sid * RPT, RPT)],
                    acc_out.at[cid, pl.ds(sid * RPT, RPT)])
    pltpu.sync_copy(cnt_sh.at[pl.ds(sid * RPT, RPT)],
                    cnt_out.at[pl.ds(cid * NPAD + sid * RPT, RPT)])


_sc_agg_call = functools.partial(
    pl.kernel,
    out_type=(
        jax.ShapeDtypeStruct((NC, NPAD, D), jnp.float32),
        jax.ShapeDtypeStruct((NC * NPAD,), jnp.float32),
    ),
    mesh=plsc.VectorSubcoreMesh(
        core_axis_name="c", subcore_axis_name="s", num_cores=NC, num_subcores=NS
    ),
    scratch_types=[
        pltpu.VMEM_SHARED((NPAD, D), jnp.float32),
        pltpu.VMEM_SHARED((NPAD,), jnp.float32),
        pltpu.VMEM((NB, K, CHUNK, D), jnp.float32),
        pltpu.VMEM((EPW // HALVES,), jnp.int32),
        pltpu.VMEM((NCH, CHUNK), jnp.int32),
        pltpu.VMEM((CHUNK,), jnp.float32),
        pltpu.VMEM((RPT,), jnp.float32),
        pltpu.SemaphoreType.DMA,
        pltpu.SemaphoreType.DMA,
        pltpu.SemaphoreType.DMA,
        pltpu.SemaphoreType.DMA,
        pltpu.SemaphoreType.DMA,
        pltpu.SemaphoreType.DMA,
    ],
)(_sc_aggregate)


BN = 1000
NBLK = N // BN


def _tail_body(acc_ref, cnt_ref, x_ref, wi_ref, bi_ref, wl_ref, bl_ref,
               wr_ref, nw_ref, nb_ref, alpha_ref, wo_ref, bo_ref, o_ref,
               h2_s, s1_s, s2_s, w1_s, w2_s):
    p = pl.program_id(0)
    i = pl.program_id(1)
    mm = lambda a, b: lax.dot_general(a, b, (((1,), (1,)), ((), ())),
                                      preferred_element_type=jnp.float32)

    @pl.when(jnp.logical_and(p == 0, i == 0))
    def _init():
        w1_s[...] = mm(wl_ref[...], wi_ref[...].T)
        w2_s[...] = mm(wr_ref[...], wi_ref[...].T)
        s1_s[...] = jnp.zeros((1, D), jnp.float32)
        s2_s[...] = jnp.zeros((1, D), jnp.float32)

    @pl.when(p == 0)
    def _ph0():
        pk = acc_ref[0] + acc_ref[1]
        c = (cnt_ref[pl.ds(i * BN, BN), :]
             + cnt_ref[pl.ds(NPAD + i * BN, BN), :])
        cc = jnp.clip(c, 1.0, None)
        bi = bi_ref[...]
        h2 = (mm(pk / cc, w1_s[...]) + mm(x_ref[...], w2_s[...])
              + (c / cc) * mm(bi, wl_ref[...]) + mm(bi, wr_ref[...])
              + bl_ref[...])
        h2_s[pl.ds(i * BN, BN), :] = h2
        s1_s[...] += jnp.sum(h2, axis=0, keepdims=True)
        s2_s[...] += jnp.sum(h2 * h2, axis=0, keepdims=True)

    @pl.when(p == 1)
    def _ph1():
        mu = s1_s[...] * (1.0 / N)
        e2 = s2_s[...] * (1.0 / N)
        amu = alpha_ref[...] * mu
        var = e2 - (2.0 * amu) * mu + amu * amu
        rs = lax.rsqrt(var + 1e-5)
        h2 = h2_s[pl.ds(i * BN, BN), :]
        hn = nw_ref[...] * ((h2 - amu) * rs) + nb_ref[...]
        ha = jnp.where(hn > 0, hn, 0.1 * hn)
        o_ref[...] = mm(ha, wo_ref[...]) + bo_ref[...]


def kernel(x, edge_index, fc_in_w, fc_in_b, lin_l_w, lin_l_b, lin_r_w,
           norm_weight, norm_bias, norm_mean_scale, fc_out_w, fc_out_b):
    f32 = jnp.float32
    npad_e = EPAD - E
    ar = jnp.arange(npad_e, dtype=jnp.int32)
    src = jnp.concatenate([edge_index[0], ar % N])
    dst = jnp.concatenate([edge_index[1],
                           N + (ar % (NPAD - N))]).reshape(EPAD // CHUNK, CHUNK)

    acc, cnt = _sc_agg_call(x, src, dst)

    full = lambda shp: pl.BlockSpec(shp, lambda p, i: (0,) * len(shp))
    out = pl.pallas_call(
        _tail_body,
        grid=(2, NBLK),
        in_specs=[
            pl.BlockSpec((NC, BN, D), lambda p, i: (0, i * (1 - p), 0)),
            full((NC * NPAD, 1)),
            pl.BlockSpec((BN, D), lambda p, i: (i * (1 - p), 0)),
            full((D, D)), full((1, D)), full((D, D)), full((1, D)),
            full((D, D)), full((1, D)), full((1, D)), full((1, D)),
            full((D, D)), full((1, D)),
        ],
        out_specs=pl.BlockSpec((BN, D), lambda p, i: (i * p, 0)),
        scratch_shapes=[
            pltpu.VMEM((N, D), f32), pltpu.VMEM((1, D), f32),
            pltpu.VMEM((1, D), f32), pltpu.VMEM((D, D), f32),
            pltpu.VMEM((D, D), f32),
        ],
        out_shape=jax.ShapeDtypeStruct((N, D), f32),
    )(acc, cnt[:, None], x, fc_in_w, fc_in_b[None, :], lin_l_w,
      lin_l_b[None, :], lin_r_w, norm_weight[None, :], norm_bias[None, :],
      norm_mean_scale[None, :], fc_out_w, fc_out_b[None, :])
    return out

# --- scband reference (transcript-rebuilt; emitter-appended) ---
"""Pipeline reference for scband-simple-gnn-28578712387660 (READ-ONLY COPY).

The authoritative reference and input builder live on the scoring server;
editing this copy changes nothing except your own understanding.
"""

import jax, jax.numpy as jnp
import numpy as np

N = 10000
E = 320000
D = 128
H = 128
O = 128


def setup_inputs(seed: int = 0):
    key = jax.random.key(seed)
    ks = jax.random.split(key, 10)
    inp = {}
    inp["x"] = jax.random.normal(ks[0], (N, D), dtype=jnp.float32)
    inp["edge_index"] = jax.random.randint(ks[1], (2, E), 0, N, dtype=jnp.int32)
    inp["fc_in_w"] = jax.random.normal(ks[2], (H, D), dtype=jnp.float32) / np.sqrt(D)
    inp["fc_in_b"] = jnp.zeros((H,), dtype=jnp.float32)
    inp["lin_l_w"] = jax.random.normal(ks[3], (H, H), dtype=jnp.float32) / np.sqrt(H)
    inp["lin_l_b"] = jnp.zeros((H,), dtype=jnp.float32)
    inp["lin_r_w"] = jax.random.normal(ks[4], (H, H), dtype=jnp.float32) / np.sqrt(H)
    inp["norm_weight"] = jnp.ones((H,), dtype=jnp.float32)
    inp["norm_bias"] = jnp.zeros((H,), dtype=jnp.float32)
    inp["norm_mean_scale"] = jnp.ones((H,), dtype=jnp.float32)
    inp["fc_out_w"] = jax.random.normal(ks[5], (O, H), dtype=jnp.float32) / np.sqrt(H)
    inp["fc_out_b"] = jnp.zeros((O,), dtype=jnp.float32)
    return inp


def reference(x, edge_index, fc_in_w, fc_in_b, lin_l_w, lin_l_b, lin_r_w,
              norm_weight, norm_bias, norm_mean_scale, fc_out_w, fc_out_b):
    # fc_in
    h = x @ fc_in_w.T + fc_in_b
    # SAGEConv (mean aggregation): messages flow src -> dst
    src = edge_index[0]
    dst = edge_index[1]
    msgs = h[src]  # gather
    agg_sum = jax.ops.segment_sum(msgs, dst, num_segments=N)
    cnt = jax.ops.segment_sum(jnp.ones((E,), dtype=jnp.float32), dst, num_segments=N)
    mean_agg = agg_sum / jnp.clip(cnt, 1.0, None)[:, None]
    h2 = mean_agg @ lin_l_w.T + lin_l_b + h @ lin_r_w.T
    # GraphNorm (single graph: stats over all nodes, learnable mean scale alpha)
    mu = jnp.mean(h2, axis=0, keepdims=True)
    centered = h2 - norm_mean_scale * mu
    var = jnp.mean(centered * centered, axis=0, keepdims=True)
    hn = centered / jnp.sqrt(var + 1e-5)
    hn = norm_weight * hn + norm_bias
    # LeakyReLU(0.1)
    ha = jnp.where(hn > 0, hn, 0.1 * hn)
    # fc_out
    return ha @ fc_out_w.T + fc_out_b

if __name__ == "__main__":
    import jax
    _d = setup_inputs()
    print(jax.jit(kernel)(*tuple(_d.values())))

</pallas_src>

<mosaic_0001>
#map = affine_map<(d0, d1) -> (0, 0)>
#map1 = affine_map<(d0, d1) -> (0)>
#map2 = affine_map<(d0, d1) -> (0, 0, 0)>
module attributes {stable_mosaic.version = 14 : i64} {
  func.func @_sc_aggregate(%arg0: i32, %arg1: i32, %arg2: memref<10000x128xf32, #tpu.memory_space<hbm>>, %arg3: memref<327680xi32, #tpu.memory_space<hbm>>, %arg4: memref<2560x128xi32, #tpu.memory_space<hbm>>, %arg5: memref<2x10240x128xf32, #tpu.memory_space<hbm>>, %arg6: memref<20480xf32, #tpu.memory_space<hbm>>, %arg7: memref<10240x128xf32, #tpu.memory_space<vmem_shared>>, %arg8: memref<10240xf32, #tpu.memory_space<vmem_shared>>, %arg9: memref<2x1x128x128xf32, #tpu.memory_space<vmem>>, %arg10: memref<5120xi32, #tpu.memory_space<vmem>>, %arg11: memref<40x128xi32, #tpu.memory_space<vmem>>, %arg12: memref<128xf32, #tpu.memory_space<vmem>>, %arg13: memref<640xf32, #tpu.memory_space<vmem>>, %arg14: memref<!tpu.dma_semaphore, #tpu.memory_space<semaphore_mem>>, %arg15: memref<!tpu.dma_semaphore, #tpu.memory_space<semaphore_mem>>, %arg16: memref<!tpu.dma_semaphore, #tpu.memory_space<semaphore_mem>>, %arg17: memref<!tpu.dma_semaphore, #tpu.memory_space<semaphore_mem>>, %arg18: memref<!tpu.dma_semaphore, #tpu.memory_space<semaphore_mem>>, %arg19: memref<!tpu.dma_semaphore, #tpu.memory_space<semaphore_mem>>) attributes {dimension_semantics = [#tpu.dimension_semantics<core_parallel>, #tpu.dimension_semantics<subcore_parallel>], iteration_bounds = array<i64: 2, 16>, scalar_prefetch = 0 : i64, scratch_operands = 13 : i64, tpu.core_type = #tpu.core_type<sc_vector_subcore>, window_params = [{transform_indices = #map}, {transform_indices = #map1}, {transform_indices = #map}, {transform_indices = #map2}, {transform_indices = #map1}]} {
    %mul3A = arith.constant 16 : i32
    %mul3A_0 = arith.muli %arg0, %mul3A : i32
    %add3A = arith.addi %mul3A_0, %arg1 : i32
    %mul3A_1 = arith.constant 10240 : i32
    %mul3A_2 = arith.muli %add3A, %mul3A_1 : i32
    %multiple_of3A = tpu.assume_multiple %mul3A_2, 128 : i32
    %scan3A = arith.constant 0 : i32
    %scan3A_3 = arith.constant 0 : i32
    %scan3A_4 = arith.constant 128 : i32
    %scan3A_5 = arith.addi %scan3A_3, %scan3A_4 : i32
    %scan3A_6 = arith.constant 1 : i32
    %scan3A_7 = scf.for %scan3A_350 = %scan3A_3 to %scan3A_5 step %scan3A_6 iter_args(%scan3A_351 = %scan3A) -> (i32)  : i32 {
      %broadcast_in_dim3A = arith.constant 0.000000e+00 : f32
      %broadcast_in_dim3A_352 = vector.broadcast %broadcast_in_dim3A : f32 to vector<16xf32>
      %swap3A = arith.constant 0 : i32
      %swap3A_353 = arith.constant 0 : i32
      %swap3A_354 = arith.index_cast %swap3A : i32 to index
      %swap3A_355 = arith.index_cast %swap3A_353 : i32 to index
      %swap3A_356 = arith.index_cast %scan3A_350 : i32 to index
      %swap3A_357 = arith.constant 0 : index
      %swap3A_358 = tpu.vector_load %arg9[%swap3A_354, %swap3A_355, %swap3A_356, %swap3A_357] {strides = array<i32>} : memref<2x1x128x128xf32, #tpu.memory_space<vmem>>, vector<1x1x1x16xf32>,
      %swap3A_359 = vector.shape_cast %swap3A_358 : vector<1x1x1x16xf32> to vector<16xf32>
      %swap3A_360 = vector.shape_cast %broadcast_in_dim3A_352 : vector<16xf32> to vector<1x1x1x16xf32>
      tpu.vector_store %arg9[%swap3A_354, %swap3A_355, %swap3A_356, %swap3A_357], %swap3A_360 {strides = array<i32>} : memref<2x1x128x128xf32, #tpu.memory_space<vmem>>, vector<1x1x1x16xf32>,
      %broadcast_in_dim3A_361 = arith.constant 0.000000e+00 : f32
      %broadcast_in_dim3A_362 = vector.broadcast %broadcast_in_dim3A_361 : f32 to vector<16xf32>
      %swap3A_363 = arith.constant 0 : i32
      %swap3A_364 = arith.constant 0 : i32
      %swap3A_365 = arith.index_cast %swap3A_363 : i32 to index
      %swap3A_366 = arith.index_cast %swap3A_364 : i32 to index
      %swap3A_367 = arith.index_cast %scan3A_350 : i32 to index
      %swap3A_368 = arith.constant 16 : index
      %swap3A_369 = tpu.vector_load %arg9[%swap3A_365, %swap3A_366, %swap3A_367, %swap3A_368] {strides = array<i32>} : memref<2x1x128x128xf32, #tpu.memory_space<vmem>>, vector<1x1x1x16xf32>,
      %swap3A_370 = vector.shape_cast %swap3A_369 : vector<1x1x1x16xf32> to vector<16xf32>
      %swap3A_371 = vector.shape_cast %broadcast_in_dim3A_362 : vector<16xf32> to vector<1x1x1x16xf32>
      tpu.vector_store %arg9[%swap3A_365, %swap3A_366, %swap3A_367, %swap3A_368], %swap3A_371 {strides = array<i32>} : memref<2x1x128x128xf32, #tpu.memory_space<vmem>>, vector<1x1x1x16xf32>,
      %broadcast_in_dim3A_372 = arith.constant 0.000000e+00 : f32
      %broadcast_in_dim3A_373 = vector.broadcast %broadcast_in_dim3A_372 : f32 to vector<16xf32>
      %swap3A_374 = arith.constant 0 : i32
      %swap3A_375 = arith.constant 0 : i32
      %swap3A_376 = arith.index_cast %swap3A_374 : i32 to index
      %swap3A_377 = arith.index_cast %swap3A_375 : i32 to index
      %swap3A_378 = arith.index_cast %scan3A_350 : i32 to index
      %swap3A_379 = arith.constant 32 : index
      %swap3A_380 = tpu.vector_load %arg9[%swap3A_376, %swap3A_377, %swap3A_378, %swap3A_379] {strides = array<i32>} : memref<2x1x128x128xf32, #tpu.memory_space<vmem>>, vector<1x1x1x16xf32>,
      %swap3A_381 = vector.shape_cast %swap3A_380 : vector<1x1x1x16xf32> to vector<16xf32>
      %swap3A_382 = vector.shape_cast %broadcast_in_dim3A_373 : vector<16xf32> to vector<1x1x1x16xf32>
      tpu.vector_store %arg9[%swap3A_376, %swap3A_377, %swap3A_378, %swap3A_379], %swap3A_382 {strides = array<i32>} : memref<2x1x128x128xf32, #tpu.memory_space<vmem>>, vector<1x1x1x16xf32>,
      %broadcast_in_dim3A_383 = arith.constant 0.000000e+00 : f32
      %broadcast_in_dim3A_384 = vector.broadcast %broadcast_in_dim3A_383 : f32 to vector<16xf32>
      %swap3A_385 = arith.constant 0 : i32
      %swap3A_386 = arith.constant 0 : i32
      %swap3A_387 = arith.index_cast %swap3A_385 : i32 to index
      %swap3A_388 = arith.index_cast %swap3A_386 : i32 to index
      %swap3A_389 = arith.index_cast %scan3A_350 : i32 to index
      %swap3A_390 = arith.constant 48 : index
      %swap3A_391 = tpu.vector_load %arg9[%swap3A_387, %swap3A_388, %swap3A_389, %swap3A_390] {strides = array<i32>} : memref<2x1x128x128xf32, #tpu.memory_space<vmem>>, vector<1x1x1x16xf32>,
      %swap3A_392 = vector.shape_cast %swap3A_391 : vector<1x1x1x16xf32> to vector<16xf32>
      %swap3A_393 = vector.shape_cast %broadcast_in_dim3A_384 : vector<16xf32> to vector<1x1x1x16xf32>
      tpu.vector_store %arg9[%swap3A_387, %swap3A_388, %swap3A_389, %swap3A_390], %swap3A_393 {strides = array<i32>} : memref<2x1x128x128xf32, #tpu.memory_space<vmem>>, vector<1x1x1x16xf32>,
      %broadcast_in_dim3A_394 = arith.constant 0.000000e+00 : f32
      %broadcast_in_dim3A_395 = vector.broadcast %broadcast_in_dim3A_394 : f32 to vector<16xf32>
      %swap3A_396 = arith.constant 0 : i32
      %swap3A_397 = arith.constant 0 : i32
      %swap3A_398 = arith.index_cast %swap3A_396 : i32 to index
      %swap3A_399 = arith.index_cast %swap3A_397 : i32 to index
      %swap3A_400 = arith.index_cast %scan3A_350 : i32 to index
      %swap3A_401 = arith.constant 64 : index
      %swap3A_402 = tpu.vector_load %arg9[%swap3A_398, %swap3A_399, %swap3A_400, %swap3A_401] {strides = array<i32>} : memref<2x1x128x128xf32, #tpu.memory_space<vmem>>, vector<1x1x1x16xf32>,
      %swap3A_403 = vector.shape_cast %swap3A_402 : vector<1x1x1x16xf32> to vector<16xf32>
      %swap3A_404 = vector.shape_cast %broadcast_in_dim3A_395 : vector<16xf32> to vector<1x1x1x16xf32>
      tpu.vector_store %arg9[%swap3A_398, %swap3A_399, %swap3A_400, %swap3A_401], %swap3A_404 {strides = array<i32>} : memref<2x1x128x128xf32, #tpu.memory_space<vmem>>, vector<1x1x1x16xf32>,
      %broadcast_in_dim3A_405 = arith.constant 0.000000e+00 : f32
      %broadcast_in_dim3A_406 = vector.broadcast %broadcast_in_dim3A_405 : f32 to vector<16xf32>
      %swap3A_407 = arith.constant 0 : i32
      %swap3A_408 = arith.constant 0 : i32
      %swap3A_409 = arith.index_cast %swap3A_407 : i32 to index
      %swap3A_410 = arith.index_cast %swap3A_408 : i32 to index
      %swap3A_411 = arith.index_cast %scan3A_350 : i32 to index
      %swap3A_412 = arith.constant 80 : index
      %swap3A_413 = tpu.vector_load %arg9[%swap3A_409, %swap3A_410, %swap3A_411, %swap3A_412] {strides = array<i32>} : memref<2x1x128x128xf32, #tpu.memory_space<vmem>>, vector<1x1x1x16xf32>,
      %swap3A_414 = vector.shape_cast %swap3A_413 : vector<1x1x1x16xf32> to vector<16xf32>
      %swap3A_415 = vector.shape_cast %broadcast_in_dim3A_406 : vector<16xf32> to vector<1x1x1x16xf32>
      tpu.vector_store %arg9[%swap3A_409, %swap3A_410, %swap3A_411, %swap3A_412], %swap3A_415 {strides = array<i32>} : memref<2x1x128x128xf32, #tpu.memory_space<vmem>>, vector<1x1x1x16xf32>,
      %broadcast_in_dim3A_416 = arith.constant 0.000000e+00 : f32
      %broadcast_in_dim3A_417 = vector.broadcast %broadcast_in_dim3A_416 : f32 to vector<16xf32>
      %swap3A_418 = arith.constant 0 : i32
      %swap3A_419 = arith.constant 0 : i32
      %swap3A_420 = arith.index_cast %swap3A_418 : i32 to index
      %swap3A_421 = arith.index_cast %swap3A_419 : i32 to index
      %swap3A_422 = arith.index_cast %scan3A_350 : i32 to index
      %swap3A_423 = arith.constant 96 : index
      %swap3A_424 = tpu.vector_load %arg9[%swap3A_420, %swap3A_421, %swap3A_422, %swap3A_423] {strides = array<i32>} : memref<2x1x128x128xf32, #tpu.memory_space<vmem>>, vector<1x1x1x16xf32>,
      %swap3A_425 = vector.shape_cast %swap3A_424 : vector<1x1x1x16xf32> to vector<16xf32>
      %swap3A_426 = vector.shape_cast %broadcast_in_dim3A_417 : vector<16xf32> to vector<1x1x1x16xf32>
      tpu.vector_store %arg9[%swap3A_420, %swap3A_421, %swap3A_422, %swap3A_423], %swap3A_426 {strides = array<i32>} : memref<2x1x128x128xf32, #tpu.memory_space<vmem>>, vector<1x1x1x16xf32>,
      %broadcast_in_dim3A_427 = arith.constant 0.000000e+00 : f32
      %broadcast_in_dim3A_428 = vector.broadcast %broadcast_in_dim3A_427 : f32 to vector<16xf32>
      %swap3A_429 = arith.constant 0 : i32
      %swap3A_430 = arith.constant 0 : i32
      %swap3A_431 = arith.index_cast %swap3A_429 : i32 to index
      %swap3A_432 = arith.index_cast %swap3A_430 : i32 to index
      %swap3A_433 = arith.index_cast %scan3A_350 : i32 to index
      %swap3A_434 = arith.constant 112 : index
      %swap3A_435 = tpu.vector_load %arg9[%swap3A_431, %swap3A_432, %swap3A_433, %swap3A_434] {strides = array<i32>} : memref<2x1x128x128xf32, #tpu.memory_space<vmem>>, vector<1x1x1x16xf32>,
      %swap3A_436 = vector.shape_cast %swap3A_435 : vector<1x1x1x16xf32> to vector<16xf32>
      %swap3A_437 = vector.shape_cast %broadcast_in_dim3A_428 : vector<16xf32> to vector<1x1x1x16xf32>
      tpu.vector_store %arg9[%swap3A_431, %swap3A_432, %swap3A_433, %swap3A_434], %swap3A_437 {strides = array<i32>} : memref<2x1x128x128xf32, #tpu.memory_space<vmem>>, vector<1x1x1x16xf32>,
      %scan3A_438 = arith.constant 0 : i32
      scf.yield %scan3A_438 : i32
    }
    %scan3A_8 = arith.constant 128 : i32
    %scan3A_9 = arith.constant 0 : i32
    %scan3A_10 = arith.constant 0 : i32
    %scan3A_11 = arith.constant 40 : i32
    %scan3A_12 = arith.addi %scan3A_10, %scan3A_11 : i32
    %scan3A_13 = arith.constant 1 : i32
    %scan3A_14 = scf.for %scan3A_350 = %scan3A_10 to %scan3A_12 step %scan3A_13 iter_args(%scan3A_351 = %scan3A_9) -> (i32)  : i32 {
      %broadcast_in_dim3A = arith.constant 0.000000e+00 : f32
      %broadcast_in_dim3A_352 = vector.broadcast %broadcast_in_dim3A : f32 to vector<16xf32>
      %mul3A_353 = arith.constant 16 : i32
      %mul3A_354 = arith.muli %scan3A_350, %mul3A_353 : i32
      %swap3A = arith.index_cast %mul3A_354 : i32 to index
      %swap3A_355 = tpu.vector_load %arg13[%swap3A] {strides = array<i32>} : memref<640xf32, #tpu.memory_space<vmem>>, vector<16xf32>,
      %swap3A_356 = vector.shape_cast %swap3A_355 : vector<16xf32> to vector<16xf32>
      %swap3A_357 = vector.shape_cast %broadcast_in_dim3A_352 : vector<16xf32> to vector<16xf32>
      tpu.vector_store %arg13[%swap3A], %swap3A_357 {strides = array<i32>} : memref<640xf32, #tpu.memory_space<vmem>>, vector<16xf32>,
      %scan3A_358 = arith.constant 0 : i32
      scf.yield %scan3A_358 : i32
    }
    %scan3A_15 = arith.constant 40 : i32
    %scan3A_16 = arith.constant 0 : i32
    %scan3A_17 = arith.constant 0 : i32
    %scan3A_18 = arith.constant 8 : i32
    %scan3A_19 = arith.addi %scan3A_17, %scan3A_18 : i32
    %scan3A_20 = arith.constant 1 : i32
    %scan3A_21 = scf.for %scan3A_350 = %scan3A_17 to %scan3A_19 step %scan3A_20 iter_args(%scan3A_351 = %scan3A_16) -> (i32)  : i32 {
      %broadcast_in_dim3A = arith.constant 1.000000e+00 : f32
      %broadcast_in_dim3A_352 = vector.broadcast %broadcast_in_dim3A : f32 to vector<16xf32>
      %mul3A_353 = arith.constant 16 : i32
      %mul3A_354 = arith.muli %scan3A_350, %mul3A_353 : i32
      %swap3A = arith.index_cast %mul3A_354 : i32 to index
      %swap3A_355 = tpu.vector_load %arg12[%swap3A] {strides = array<i32>} : memref<128xf32, #tpu.memory_space<vmem>>, vector<16xf32>,
      %swap3A_356 = vector.shape_cast %swap3A_355 : vector<16xf32> to vector<16xf32>
      %swap3A_357 = vector.shape_cast %broadcast_in_dim3A_352 : vector<16xf32> to vector<16xf32>
      tpu.vector_store %arg12[%swap3A], %swap3A_357 {strides = array<i32>} : memref<128xf32, #tpu.memory_space<vmem>>, vector<16xf32>,
      %scan3A_358 = arith.constant 0 : i32
      scf.yield %scan3A_358 : i32
    }
    %scan3A_22 = arith.constant 8 : i32
    %mul3A_23 = arith.constant 640 : i32
    %mul3A_24 = arith.muli %arg1, %mul3A_23 : i32
    %add3A_25 = arith.constant 0 : i32
    %add3A_26 = arith.addi %mul3A_24, %add3A_25 : i32
    %run_scoped3A = arith.constant 0 : i32
    %run_scoped3A_27 = arith.constant 0 : i32
    "tpu.region"() ({
      %run_scoped3A_350 = tpu.sem_alloc : memref<!tpu.dma_semaphore, #tpu.memory_space<semaphore_mem>>
      %dma_start3A_351 = arith.constant 0 : i32
      %dma_start3A_352 = arith.constant 0 : i32
      %dma_start3A_353 = tpu.memref_slice %arg9[%run_scoped3A, %run_scoped3A_27, %dma_start3A_351, %dma_start3A_352] : memref<2x1x128x128xf32, #tpu.memory_space<vmem>> -> memref<1x1x128x128xf32, #tpu.memory_space<vmem>>
      %dma_start3A_354 = tpu.memref_squeeze %dma_start3A_353 : memref<1x1x128x128xf32, #tpu.memory_space<vmem>> -> memref<128x128xf32, #tpu.memory_space<vmem>>
      %dma_start3A_355 = arith.constant 0 : i32
      %dma_start3A_356 = tpu.memref_slice %arg7[%add3A_26, %dma_start3A_355] : memref<10240x128xf32, #tpu.memory_space<vmem_shared>> -> memref<128x128xf32, #tpu.memory_space<vmem_shared>>
      %dma_start3A_357 = arith.constant 0 : i32
      %dma_start3A_358 = tpu.memref_slice %arg7[%add3A_26, %dma_start3A_357] : memref<10240x128xf32, #tpu.memory_space<vmem_shared>> -> memref<128x128xf32, #tpu.memory_space<vmem_shared>>
      %dma_start3A_359 = arith.constant 0 : i32
      %dma_start3A_360 = arith.constant 0 : i32
      %dma_start3A_361 = tpu.memref_slice %arg9[%run_scoped3A, %run_scoped3A_27, %dma_start3A_359, %dma_start3A_360] : memref<2x1x128x128xf32, #tpu.memory_space<vmem>> -> memref<1x1x128x128xf32, #tpu.memory_space<vmem>>
      %dma_start3A_362 = tpu.memref_squeeze %dma_start3A_361 : memref<1x1x128x128xf32, #tpu.memory_space<vmem>> -> memref<128x128xf32, #tpu.memory_space<vmem>>
      tpu.enqueue_dma source(%dma_start3A_362 : memref<128x128xf32, #tpu.memory_space<vmem>>) target(%dma_start3A_358 : memref<128x128xf32, #tpu.memory_space<vmem_shared>>) target_semaphore(%run_scoped3A_350 : memref<!tpu.dma_semaphore, #tpu.memory_space<semaphore_mem>>)
      %dma_wait3A_363 = arith.constant 0 : i32
      %dma_wait3A_364 = arith.constant 0 : i32
      %dma_wait3A_365 = tpu.memref_slice %arg9[%run_scoped3A, %run_scoped3A_27, %dma_wait3A_363, %dma_wait3A_364] : memref<2x1x128x128xf32, #tpu.memory_space<vmem>> -> memref<1x1x128x128xf32, #tpu.memory_space<vmem>>
      %dma_wait3A_366 = tpu.memref_squeeze %dma_wait3A_365 : memref<1x1x128x128xf32, #tpu.memory_space<vmem>> -> memref<128x128xf32, #tpu.memory_space<vmem>>
      %dma_wait3A_367 = arith.constant 0 : i32
      %dma_wait3A_368 = tpu.memref_slice %arg7[%add3A_26, %dma_wait3A_367] : memref<10240x128xf32, #tpu.memory_space<vmem_shared>> -> memref<128x128xf32, #tpu.memory_space<vmem_shared>>
      %dma_wait3A_369 = arith.constant 0 : i32
      %dma_wait3A_370 = tpu.memref_slice %arg7[%add3A_26, %dma_wait3A_369] : memref<10240x128xf32, #tpu.memory_space<vmem_shared>> -> memref<128x128xf32, #tpu.memory_space<vmem_shared>>
      %dma_wait3A_371 = arith.constant 0 : i32
      %dma_wait3A_372 = arith.constant 0 : i32
      %dma_wait3A_373 = tpu.memref_slice %arg9[%run_scoped3A, %run_scoped3A_27, %dma_wait3A_371, %dma_wait3A_372] : memref<2x1x128x128xf32, #tpu.memory_space<vmem>> -> memref<1x1x128x128xf32, #tpu.memory_space<vmem>>
      %dma_wait3A_374 = tpu.memref_squeeze %dma_wait3A_373 : memref<1x1x128x128xf32, #tpu.memory_space<vmem>> -> memref<128x128xf32, #tpu.memory_space<vmem>>
      tpu.wait_dma2 semaphore(%run_scoped3A_350 : memref<!tpu.dma_semaphore, #tpu.memory_space<semaphore_mem>>) src(%dma_wait3A_374 : memref<128x128xf32, #tpu.memory_space<vmem>>) dst(%dma_wait3A_370 : memref<128x128xf32, #tpu.memory_space<vmem_shared>>)
      tpu.yield
    }) : () -> ()
    %mul3A_28 = arith.constant 640 : i32
    %mul3A_29 = arith.muli %arg1, %mul3A_28 : i32
    %add3A_30 = arith.constant 128 : i32
    %add3A_31 = arith.addi %mul3A_29, %add3A_30 : i32
    %run_scoped3A_32 = arith.constant 0 : i32
    %run_scoped3A_33 = arith.constant 0 : i32
    "tpu.region"() ({
      %run_scoped3A_350 = tpu.sem_alloc : memref<!tpu.dma_semaphore, #tpu.memory_space<semaphore_mem>>
      %dma_start3A_351 = arith.constant 0 : i32
      %dma_start3A_352 = arith.constant 0 : i32
      %dma_start3A_353 = tpu.memref_slice %arg9[%run_scoped3A_32, %run_scoped3A_33, %dma_start3A_351, %dma_start3A_352] : memref<2x1x128x128xf32, #tpu.memory_space<vmem>> -> memref<1x1x128x128xf32, #tpu.memory_space<vmem>>
      %dma_start3A_354 = tpu.memref_squeeze %dma_start3A_353 : memref<1x1x128x128xf32, #tpu.memory_space<vmem>> -> memref<128x128xf32, #tpu.memory_space<vmem>>
      %dma_start3A_355 = arith.constant 0 : i32
      %dma_start3A_356 = tpu.memref_slice %arg7[%add3A_31, %dma_start3A_355] : memref<10240x128xf32, #tpu.memory_space<vmem_shared>> -> memref<128x128xf32, #tpu.memory_space<vmem_shared>>
      %dma_start3A_357 = arith.constant 0 : i32
      %dma_start3A_358 = tpu.memref_slice %arg7[%add3A_31, %dma_start3A_357] : memref<10240x128xf32, #tpu.memory_space<vmem_shared>> -> memref<128x128xf32, #tpu.memory_space<vmem_shared>>
      %dma_start3A_359 = arith.constant 0 : i32
      %dma_start3A_360 = arith.constant 0 : i32
      %dma_start3A_361 = tpu.memref_slice %arg9[%run_scoped3A_32, %run_scoped3A_33, %dma_start3A_359, %dma_start3A_360] : memref<2x1x128x128xf32, #tpu.memory_space<vmem>> -> memref<1x1x128x128xf32, #tpu.memory_space<vmem>>
      %dma_start3A_362 = tpu.memref_squeeze %dma_start3A_361 : memref<1x1x128x128xf32, #tpu.memory_space<vmem>> -> memref<128x128xf32, #tpu.memory_space<vmem>>
      tpu.enqueue_dma source(%dma_start3A_362 : memref<128x128xf32, #tpu.memory_space<vmem>>) target(%dma_start3A_358 : memref<128x128xf32, #tpu.memory_space<vmem_shared>>) target_semaphore(%run_scoped3A_350 : memref<!tpu.dma_semaphore, #tpu.memory_space<semaphore_mem>>)
      %dma_wait3A_363 = arith.constant 0 : i32
      %dma_wait3A_364 = arith.constant 0 : i32
      %dma_wait3A_365 = tpu.memref_slice %arg9[%run_scoped3A_32, %run_scoped3A_33, %dma_wait3A_363, %dma_wait3A_364] : memref<2x1x128x128xf32, #tpu.memory_space<vmem>> -> memref<1x1x128x128xf32, #tpu.memory_space<vmem>>
      %dma_wait3A_366 = tpu.memref_squeeze %dma_wait3A_365 : memref<1x1x128x128xf32, #tpu.memory_space<vmem>> -> memref<128x128xf32, #tpu.memory_space<vmem>>
      %dma_wait3A_367 = arith.constant 0 : i32
      %dma_wait3A_368 = tpu.memref_slice %arg7[%add3A_31, %dma_wait3A_367] : memref<10240x128xf32, #tpu.memory_space<vmem_shared>> -> memref<128x128xf32, #tpu.memory_space<vmem_shared>>
      %dma_wait3A_369 = arith.constant 0 : i32
      %dma_wait3A_370 = tpu.memref_slice %arg7[%add3A_31, %dma_wait3A_369] : memref<10240x128xf32, #tpu.memory_space<vmem_shared>> -> memref<128x128xf32, #tpu.memory_space<vmem_shared>>
      %dma_wait3A_371 = arith.constant 0 : i32
      %dma_wait3A_372 = arith.constant 0 : i32
      %dma_wait3A_373 = tpu.memref_slice %arg9[%run_scoped3A_32, %run_scoped3A_33, %dma_wait3A_371, %dma_wait3A_372] : memref<2x1x128x128xf32, #tpu.memory_space<vmem>> -> memref<1x1x128x128xf32, #tpu.memory_space<vmem>>
      %dma_wait3A_374 = tpu.memref_squeeze %dma_wait3A_373 : memref<1x1x128x128xf32, #tpu.memory_space<vmem>> -> memref<128x128xf32, #tpu.memory_space<vmem>>
      tpu.wait_dma2 semaphore(%run_scoped3A_350 : memref<!tpu.dma_semaphore, #tpu.memory_space<semaphore_mem>>) src(%dma_wait3A_374 : memref<128x128xf32, #tpu.memory_space<vmem>>) dst(%dma_wait3A_370 : memref<128x128xf32, #tpu.memory_space<vmem_shared>>)
      tpu.yield
    }) : () -> ()
    %mul3A_34 = arith.constant 640 : i32
    %mul3A_35 = arith.muli %arg1, %mul3A_34 : i32
    %add3A_36 = arith.constant 256 : i32
    %add3A_37 = arith.addi %mul3A_35, %add3A_36 : i32
    %run_scoped3A_38 = arith.constant 0 : i32
    %run_scoped3A_39 = arith.constant 0 : i32
    "tpu.region"() ({
      %run_scoped3A_350 = tpu.sem_alloc : memref<!tpu.dma_semaphore, #tpu.memory_space<semaphore_mem>>
      %dma_start3A_351 = arith.constant 0 : i32
      %dma_start3A_352 = arith.constant 0 : i32
      %dma_start3A_353 = tpu.memref_slice %arg9[%run_scoped3A_38, %run_scoped3A_39, %dma_start3A_351, %dma_start3A_352] : memref<2x1x128x128xf32, #tpu.memory_space<vmem>> -> memref<1x1x128x128xf32, #tpu.memory_space<vmem>>
      %dma_start3A_354 = tpu.memref_squeeze %dma_start3A_353 : memref<1x1x128x128xf32, #tpu.memory_space<vmem>> -> memref<128x128xf32, #tpu.memory_space<vmem>>
      %dma_start3A_355 = arith.constant 0 : i32
      %dma_start3A_356 = tpu.memref_slice %arg7[%add3A_37, %dma_start3A_355] : memref<10240x128xf32, #tpu.memory_space<vmem_shared>> -> memref<128x128xf32, #tpu.memory_space<vmem_shared>>
      %dma_start3A_357 = arith.constant 0 : i32
      %dma_start3A_358 = tpu.memref_slice %arg7[%add3A_37, %dma_start3A_357] : memref<10240x128xf32, #tpu.memory_space<vmem_shared>> -> memref<128x128xf32, #tpu.memory_space<vmem_shared>>
      %dma_start3A_359 = arith.constant 0 : i32
      %dma_start3A_360 = arith.constant 0 : i32
      %dma_start3A_361 = tpu.memref_slice %arg9[%run_scoped3A_38, %run_scoped3A_39, %dma_start3A_359, %dma_start3A_360] : memref<2x1x128x128xf32, #tpu.memory_space<vmem>> -> memref<1x1x128x128xf32, #tpu.memory_space<vmem>>
      %dma_start3A_362 = tpu.memref_squeeze %dma_start3A_361 : memref<1x1x128x128xf32, #tpu.memory_space<vmem>> -> memref<128x128xf32, #tpu.memory_space<vmem>>
      tpu.enqueue_dma source(%dma_start3A_362 : memref<128x128xf32, #tpu.memory_space<vmem>>) target(%dma_start3A_358 : memref<128x128xf32, #tpu.memory_space<vmem_shared>>) target_semaphore(%run_scoped3A_350 : memref<!tpu.dma_semaphore, #tpu.memory_space<semaphore_mem>>)
      %dma_wait3A_363 = arith.constant 0 : i32
      %dma_wait3A_364 = arith.constant 0 : i32
      %dma_wait3A_365 = tpu.memref_slice %arg9[%run_scoped3A_38, %run_scoped3A_39, %dma_wait3A_363, %dma_wait3A_364] : memref<2x1x128x128xf32, #tpu.memory_space<vmem>> -> memref<1x1x128x128xf32, #tpu.memory_space<vmem>>
      %dma_wait3A_366 = tpu.memref_squeeze %dma_wait3A_365 : memref<1x1x128x128xf32, #tpu.memory_space<vmem>> -> memref<128x128xf32, #tpu.memory_space<vmem>>
      %dma_wait3A_367 = arith.constant 0 : i32
      %dma_wait3A_368 = tpu.memref_slice %arg7[%add3A_37, %dma_wait3A_367] : memref<10240x128xf32, #tpu.memory_space<vmem_shared>> -> memref<128x128xf32, #tpu.memory_space<vmem_shared>>
      %dma_wait3A_369 = arith.constant 0 : i32
      %dma_wait3A_370 = tpu.memref_slice %arg7[%add3A_37, %dma_wait3A_369] : memref<10240x128xf32, #tpu.memory_space<vmem_shared>> -> memref<128x128xf32, #tpu.memory_space<vmem_shared>>
      %dma_wait3A_371 = arith.constant 0 : i32
      %dma_wait3A_372 = arith.constant 0 : i32
      %dma_wait3A_373 = tpu.memref_slice %arg9[%run_scoped3A_38, %run_scoped3A_39, %dma_wait3A_371, %dma_wait3A_372] : memref<2x1x128x128xf32, #tpu.memory_space<vmem>> -> memref<1x1x128x128xf32, #tpu.memory_space<vmem>>
      %dma_wait3A_374 = tpu.memref_squeeze %dma_wait3A_373 : memref<1x1x128x128xf32, #tpu.memory_space<vmem>> -> memref<128x128xf32, #tpu.memory_space<vmem>>
      tpu.wait_dma2 semaphore(%run_scoped3A_350 : memref<!tpu.dma_semaphore, #tpu.memory_space<semaphore_mem>>) src(%dma_wait3A_374 : memref<128x128xf32, #tpu.memory_space<vmem>>) dst(%dma_wait3A_370 : memref<128x128xf32, #tpu.memory_space<vmem_shared>>)
      tpu.yield
    }) : () -> ()
    %mul3A_40 = arith.constant 640 : i32
    %mul3A_41 = arith.muli %arg1, %mul3A_40 : i32
    %add3A_42 = arith.constant 384 : i32
    %add3A_43 = arith.addi %mul3A_41, %add3A_42 : i32
    %run_scoped3A_44 = arith.constant 0 : i32
    %run_scoped3A_45 = arith.constant 0 : i32
    "tpu.region"() ({
      %run_scoped3A_350 = tpu.sem_alloc : memref<!tpu.dma_semaphore, #tpu.memory_space<semaphore_mem>>
      %dma_start3A_351 = arith.constant 0 : i32
      %dma_start3A_352 = arith.constant 0 : i32
      %dma_start3A_353 = tpu.memref_slice %arg9[%run_scoped3A_44, %run_scoped3A_45, %dma_start3A_351, %dma_start3A_352] : memref<2x1x128x128xf32, #tpu.memory_space<vmem>> -> memref<1x1x128x128xf32, #tpu.memory_space<vmem>>
      %dma_start3A_354 = tpu.memref_squeeze %dma_start3A_353 : memref<1x1x128x128xf32, #tpu.memory_space<vmem>> -> memref<128x128xf32, #tpu.memory_space<vmem>>
      %dma_start3A_355 = arith.constant 0 : i32
      %dma_start3A_356 = tpu.memref_slice %arg7[%add3A_43, %dma_start3A_355] : memref<10240x128xf32, #tpu.memory_space<vmem_shared>> -> memref<128x128xf32, #tpu.memory_space<vmem_shared>>
      %dma_start3A_357 = arith.constant 0 : i32
      %dma_start3A_358 = tpu.memref_slice %arg7[%add3A_43, %dma_start3A_357] : memref<10240x128xf32, #tpu.memory_space<vmem_shared>> -> memref<128x128xf32, #tpu.memory_space<vmem_shared>>
      %dma_start3A_359 = arith.constant 0 : i32
      %dma_start3A_360 = arith.constant 0 : i32
      %dma_start3A_361 = tpu.memref_slice %arg9[%run_scoped3A_44, %run_scoped3A_45, %dma_start3A_359, %dma_start3A_360] : memref<2x1x128x128xf32, #tpu.memory_space<vmem>> -> memref<1x1x128x128xf32, #tpu.memory_space<vmem>>
      %dma_start3A_362 = tpu.memref_squeeze %dma_start3A_361 : memref<1x1x128x128xf32, #tpu.memory_space<vmem>> -> memref<128x128xf32, #tpu.memory_space<vmem>>
      tpu.enqueue_dma source(%dma_start3A_362 : memref<128x128xf32, #tpu.memory_space<vmem>>) target(%dma_start3A_358 : memref<128x128xf32, #tpu.memory_space<vmem_shared>>) target_semaphore(%run_scoped3A_350 : memref<!tpu.dma_semaphore, #tpu.memory_space<semaphore_mem>>)
      %dma_wait3A_363 = arith.constant 0 : i32
      %dma_wait3A_364 = arith.constant 0 : i32
      %dma_wait3A_365 = tpu.memref_slice %arg9[%run_scoped3A_44, %run_scoped3A_45, %dma_wait3A_363, %dma_wait3A_364] : memref<2x1x128x128xf32, #tpu.memory_space<vmem>> -> memref<1x1x128x128xf32, #tpu.memory_space<vmem>>
      %dma_wait3A_366 = tpu.memref_squeeze %dma_wait3A_365 : memref<1x1x128x128xf32, #tpu.memory_space<vmem>> -> memref<128x128xf32, #tpu.memory_space<vmem>>
      %dma_wait3A_367 = arith.constant 0 : i32
      %dma_wait3A_368 = tpu.memref_slice %arg7[%add3A_43, %dma_wait3A_367] : memref<10240x128xf32, #tpu.memory_space<vmem_shared>> -> memref<128x128xf32, #tpu.memory_space<vmem_shared>>
      %dma_wait3A_369 = arith.constant 0 : i32
      %dma_wait3A_370 = tpu.memref_slice %arg7[%add3A_43, %dma_wait3A_369] : memref<10240x128xf32, #tpu.memory_space<vmem_shared>> -> memref<128x128xf32, #tpu.memory_space<vmem_shared>>
      %dma_wait3A_371 = arith.constant 0 : i32
      %dma_wait3A_372 = arith.constant 0 : i32
      %dma_wait3A_373 = tpu.memref_slice %arg9[%run_scoped3A_44, %run_scoped3A_45, %dma_wait3A_371, %dma_wait3A_372] : memref<2x1x128x128xf32, #tpu.memory_space<vmem>> -> memref<1x1x128x128xf32, #tpu.memory_space<vmem>>
      %dma_wait3A_374 = tpu.memref_squeeze %dma_wait3A_373 : memref<1x1x128x128xf32, #tpu.memory_space<vmem>> -> memref<128x128xf32, #tpu.memory_space<vmem>>
      tpu.wait_dma2 semaphore(%run_scoped3A_350 : memref<!tpu.dma_semaphore, #tpu.memory_space<semaphore_mem>>) src(%dma_wait3A_374 : memref<128x128xf32, #tpu.memory_space<vmem>>) dst(%dma_wait3A_370 : memref<128x128xf32, #tpu.memory_space<vmem_shared>>)
      tpu.yield
    }) : () -> ()
    %mul3A_46 = arith.constant 640 : i32
    %mul3A_47 = arith.muli %arg1, %mul3A_46 : i32
    %add3A_48 = arith.constant 512 : i32
    %add3A_49 = arith.addi %mul3A_47, %add3A_48 : i32
    %run_scoped3A_50 = arith.constant 0 : i32
    %run_scoped3A_51 = arith.constant 0 : i32
    "tpu.region"() ({
      %run_scoped3A_350 = tpu.sem_alloc : memref<!tpu.dma_semaphore, #tpu.memory_space<semaphore_mem>>
      %dma_start3A_351 = arith.constant 0 : i32
      %dma_start3A_352 = arith.constant 0 : i32
      %dma_start3A_353 = tpu.memref_slice %arg9[%run_scoped3A_50, %run_scoped3A_51, %dma_start3A_351, %dma_start3A_352] : memref<2x1x128x128xf32, #tpu.memory_space<vmem>> -> memref<1x1x128x128xf32, #tpu.memory_space<vmem>>
      %dma_start3A_354 = tpu.memref_squeeze %dma_start3A_353 : memref<1x1x128x128xf32, #tpu.memory_space<vmem>> -> memref<128x128xf32, #tpu.memory_space<vmem>>
      %dma_start3A_355 = arith.constant 0 : i32
      %dma_start3A_356 = tpu.memref_slice %arg7[%add3A_49, %dma_start3A_355] : memref<10240x128xf32, #tpu.memory_space<vmem_shared>> -> memref<128x128xf32, #tpu.memory_space<vmem_shared>>
      %dma_start3A_357 = arith.constant 0 : i32
      %dma_start3A_358 = tpu.memref_slice %arg7[%add3A_49, %dma_start3A_357] : memref<10240x128xf32, #tpu.memory_space<vmem_shared>> -> memref<128x128xf32, #tpu.memory_space<vmem_shared>>
      %dma_start3A_359 = arith.constant 0 : i32
      %dma_start3A_360 = arith.constant 0 : i32
      %dma_start3A_361 = tpu.memref_slice %arg9[%run_scoped3A_50, %run_scoped3A_51, %dma_start3A_359, %dma_start3A_360] : memref<2x1x128x128xf32, #tpu.memory_space<vmem>> -> memref<1x1x128x128xf32, #tpu.memory_space<vmem>>
      %dma_start3A_362 = tpu.memref_squeeze %dma_start3A_361 : memref<1x1x128x128xf32, #tpu.memory_space<vmem>> -> memref<128x128xf32, #tpu.memory_space<vmem>>
      tpu.enqueue_dma source(%dma_start3A_362 : memref<128x128xf32, #tpu.memory_space<vmem>>) target(%dma_start3A_358 : memref<128x128xf32, #tpu.memory_space<vmem_shared>>) target_semaphore(%run_scoped3A_350 : memref<!tpu.dma_semaphore, #tpu.memory_space<semaphore_mem>>)
      %dma_wait3A_363 = arith.constant 0 : i32
      %dma_wait3A_364 = arith.constant 0 : i32
      %dma_wait3A_365 = tpu.memref_slice %arg9[%run_scoped3A_50, %run_scoped3A_51, %dma_wait3A_363, %dma_wait3A_364] : memref<2x1x128x128xf32, #tpu.memory_space<vmem>> -> memref<1x1x128x128xf32, #tpu.memory_space<vmem>>
      %dma_wait3A_366 = tpu.memref_squeeze %dma_wait3A_365 : memref<1x1x128x128xf32, #tpu.memory_space<vmem>> -> memref<128x128xf32, #tpu.memory_space<vmem>>
      %dma_wait3A_367 = arith.constant 0 : i32
      %dma_wait3A_368 = tpu.memref_slice %arg7[%add3A_49, %dma_wait3A_367] : memref<10240x128xf32, #tpu.memory_space<vmem_shared>> -> memref<128x128xf32, #tpu.memory_space<vmem_shared>>
      %dma_wait3A_369 = arith.constant 0 : i32
      %dma_wait3A_370 = tpu.memref_slice %arg7[%add3A_49, %dma_wait3A_369] : memref<10240x128xf32, #tpu.memory_space<vmem_shared>> -> memref<128x128xf32, #tpu.memory_space<vmem_shared>>
      %dma_wait3A_371 = arith.constant 0 : i32
      %dma_wait3A_372 = arith.constant 0 : i32
      %dma_wait3A_373 = tpu.memref_slice %arg9[%run_scoped3A_50, %run_scoped3A_51, %dma_wait3A_371, %dma_wait3A_372] : memref<2x1x128x128xf32, #tpu.memory_space<vmem>> -> memref<1x1x128x128xf32, #tpu.memory_space<vmem>>
      %dma_wait3A_374 = tpu.memref_squeeze %dma_wait3A_373 : memref<1x1x128x128xf32, #tpu.memory_space<vmem>> -> memref<128x128xf32, #tpu.memory_space<vmem>>
      tpu.wait_dma2 semaphore(%run_scoped3A_350 : memref<!tpu.dma_semaphore, #tpu.memory_space<semaphore_mem>>) src(%dma_wait3A_374 : memref<128x128xf32, #tpu.memory_space<vmem>>) dst(%dma_wait3A_370 : memref<128x128xf32, #tpu.memory_space<vmem_shared>>)
      tpu.yield
    }) : () -> ()
    %mul3A_52 = arith.constant 640 : i32
    %mul3A_53 = arith.muli %arg1, %mul3A_52 : i32
    "tpu.region"() ({
      %run_scoped3A_350 = tpu.sem_alloc : memref<!tpu.dma_semaphore, #tpu.memory_space<semaphore_mem>>
      %dma_start3A_351 = tpu.memref_slice %arg8[%mul3A_53] : memref<10240xf32, #tpu.memory_space<vmem_shared>> -> memref<640xf32, #tpu.memory_space<vmem_shared>>
      %dma_start3A_352 = tpu.memref_slice %arg8[%mul3A_53] : memref<10240xf32, #tpu.memory_space<vmem_shared>> -> memref<640xf32, #tpu.memory_space<vmem_shared>>
      tpu.enqueue_dma source(%arg13 : memref<640xf32, #tpu.memory_space<vmem>>) target(%dma_start3A_352 : memref<640xf32, #tpu.memory_space<vmem_shared>>) target_semaphore(%run_scoped3A_350 : memref<!tpu.dma_semaphore, #tpu.memory_space<semaphore_mem>>)
      %dma_wait3A_353 = tpu.memref_slice %arg8[%mul3A_53] : memref<10240xf32, #tpu.memory_space<vmem_shared>> -> memref<640xf32, #tpu.memory_space<vmem_shared>>
      %dma_wait3A_354 = tpu.memref_slice %arg8[%mul3A_53] : memref<10240xf32, #tpu.memory_space<vmem_shared>> -> memref<640xf32, #tpu.memory_space<vmem_shared>>
      tpu.wait_dma2 semaphore(%run_scoped3A_350 : memref<!tpu.dma_semaphore, #tpu.memory_space<semaphore_mem>>) src(%arg13 : memref<640xf32, #tpu.memory_space<vmem>>) dst(%dma_wait3A_354 : memref<640xf32, #tpu.memory_space<vmem_shared>>)
      tpu.yield
    }) : () -> ()
    %barrier3A = arith.constant 0 : index
    tpu.barrier barrier_id(%barrier3A)
    %add3A_54 = arith.constant 0 : i32
    %add3A_55 = arith.addi %multiple_of3A, %add3A_54 : i32
    "tpu.region"() ({
      %run_scoped3A_350 = tpu.sem_alloc : memref<!tpu.dma_semaphore, #tpu.memory_space<semaphore_mem>>
      %dma_start3A_351 = tpu.memref_slice %arg3[%add3A_55] : memref<327680xi32, #tpu.memory_space<hbm>> -> memref<5120xi32, #tpu.memory_space<hbm>>
      %dma_start3A_352 = tpu.memref_slice %arg3[%add3A_55] : memref<327680xi32, #tpu.memory_space<hbm>> -> memref<5120xi32, #tpu.memory_space<hbm>>
      tpu.enqueue_dma source(%dma_start3A_352 : memref<5120xi32, #tpu.memory_space<hbm>>) target(%arg10 : memref<5120xi32, #tpu.memory_space<vmem>>) target_semaphore(%run_scoped3A_350 : memref<!tpu.dma_semaphore, #tpu.memory_space<semaphore_mem>>)
      %dma_wait3A_353 = tpu.memref_slice %arg3[%add3A_55] : memref<327680xi32, #tpu.memory_space<hbm>> -> memref<5120xi32, #tpu.memory_space<hbm>>
      %dma_wait3A_354 = tpu.memref_slice %arg3[%add3A_55] : memref<327680xi32, #tpu.memory_space<hbm>> -> memref<5120xi32, #tpu.memory_space<hbm>>
      tpu.wait_dma2 semaphore(%run_scoped3A_350 : memref<!tpu.dma_semaphore, #tpu.memory_space<semaphore_mem>>) src(%dma_wait3A_354 : memref<5120xi32, #tpu.memory_space<hbm>>) dst(%arg10 : memref<5120xi32, #tpu.memory_space<vmem>>)
      tpu.yield
    }) : () -> ()
    %mul3A_56 = arith.constant 80 : i32
    %mul3A_57 = arith.muli %add3A, %mul3A_56 : i32
    %add3A_58 = arith.constant 0 : i32
    %add3A_59 = arith.addi %mul3A_57, %add3A_58 : i32
    "tpu.region"() ({
      %run_scoped3A_350 = tpu.sem_alloc : memref<!tpu.dma_semaphore, #tpu.memory_space<semaphore_mem>>
      %dma_start3A_351 = arith.constant 0 : i32
      %dma_start3A_352 = tpu.memref_slice %arg4[%add3A_59, %dma_start3A_351] : memref<2560x128xi32, #tpu.memory_space<hbm>> -> memref<40x128xi32, #tpu.memory_space<hbm>>
      %dma_start3A_353 = arith.constant 0 : i32
      %dma_start3A_354 = tpu.memref_slice %arg4[%add3A_59, %dma_start3A_353] : memref<2560x128xi32, #tpu.memory_space<hbm>> -> memref<40x128xi32, #tpu.memory_space<hbm>>
      tpu.enqueue_dma source(%dma_start3A_354 : memref<40x128xi32, #tpu.memory_space<hbm>>) target(%arg11 : memref<40x128xi32, #tpu.memory_space<vmem>>) target_semaphore(%run_scoped3A_350 : memref<!tpu.dma_semaphore, #tpu.memory_space<semaphore_mem>>)
      %dma_wait3A_355 = arith.constant 0 : i32
      %dma_wait3A_356 = tpu.memref_slice %arg4[%add3A_59, %dma_wait3A_355] : memref<2560x128xi32, #tpu.memory_space<hbm>> -> memref<40x128xi32, #tpu.memory_space<hbm>>
      %dma_wait3A_357 = arith.constant 0 : i32
      %dma_wait3A_358 = tpu.memref_slice %arg4[%add3A_59, %dma_wait3A_357] : memref<2560x128xi32, #tpu.memory_space<hbm>> -> memref<40x128xi32, #tpu.memory_space<hbm>>
      tpu.wait_dma2 semaphore(%run_scoped3A_350 : memref<!tpu.dma_semaphore, #tpu.memory_space<semaphore_mem>>) src(%dma_wait3A_358 : memref<40x128xi32, #tpu.memory_space<hbm>>) dst(%arg11 : memref<40x128xi32, #tpu.memory_space<vmem>>)
      tpu.yield
    }) : () -> ()
    %dma_start3A = arith.constant 0 : i32
    %dma_start3A_60 = arith.constant 0 : i32
    %dma_start3A_61 = arith.constant 0 : i32
    %dma_start3A_62 = arith.constant 0 : i32
    %dma_start3A_63 = tpu.memref_slice %arg9[%dma_start3A, %dma_start3A_60, %dma_start3A_61, %dma_start3A_62] : memref<2x1x128x128xf32, #tpu.memory_space<vmem>> -> memref<1x1x128x128xf32, #tpu.memory_space<vmem>>
    %dma_start3A_64 = tpu.memref_squeeze %dma_start3A_63 : memref<1x1x128x128xf32, #tpu.memory_space<vmem>> -> memref<128x128xf32, #tpu.memory_space<vmem>>
    %dma_start3A_65 = arith.constant 0 : i32
    %dma_start3A_66 = tpu.memref_slice %arg10[%dma_start3A_65] : memref<5120xi32, #tpu.memory_space<vmem>> -> memref<128xi32, #tpu.memory_space<vmem>>
    %dma_start3A_67 = arith.constant 0 : i32
    %dma_start3A_68 = arith.constant 0 : i32
    %dma_start3A_69 = tpu.memref_slice %arg2[%dma_start3A_67, %dma_start3A_68] : memref<10000x128xf32, #tpu.memory_space<hbm>> -> memref<10000x128xf32, #tpu.memory_space<hbm>>
    tpu.enqueue_indirect_dma source(%dma_start3A_69 : memref<10000x128xf32, #tpu.memory_space<hbm>>) target(%dma_start3A_64 : memref<128x128xf32, #tpu.memory_space<vmem>>) offsets(%dma_start3A_66 : memref<128xi32, #tpu.memory_space<vmem>>) semaphore(%arg14 : memref<!tpu.dma_semaphore, #tpu.memory_space<semaphore_mem>>)
    %dma_start3A_70 = arith.constant 1 : i32
    %dma_start3A_71 = arith.constant 0 : i32
    %dma_start3A_72 = arith.constant 0 : i32
    %dma_start3A_73 = arith.constant 0 : i32
    %dma_start3A_74 = tpu.memref_slice %arg9[%dma_start3A_70, %dma_start3A_71, %dma_start3A_72, %dma_start3A_73] : memref<2x1x128x128xf32, #tpu.memory_space<vmem>> -> memref<1x1x128x128xf32, #tpu.memory_space<vmem>>
    %dma_start3A_75 = tpu.memref_squeeze %dma_start3A_74 : memref<1x1x128x128xf32, #tpu.memory_space<vmem>> -> memref<128x128xf32, #tpu.memory_space<vmem>>
    %dma_start3A_76 = arith.constant 128 : i32
    %dma_start3A_77 = tpu.memref_slice %arg10[%dma_start3A_76] : memref<5120xi32, #tpu.memory_space<vmem>> -> memref<128xi32, #tpu.memory_space<vmem>>
    %dma_start3A_78 = arith.constant 0 : i32
    %dma_start3A_79 = arith.constant 0 : i32
    %dma_start3A_80 = tpu.memref_slice %arg2[%dma_start3A_78, %dma_start3A_79] : memref<10000x128xf32, #tpu.memory_space<hbm>> -> memref<10000x128xf32, #tpu.memory_space<hbm>>
    tpu.enqueue_indirect_dma source(%dma_start3A_80 : memref<10000x128xf32, #tpu.memory_space<hbm>>) target(%dma_start3A_75 : memref<128x128xf32, #tpu.memory_space<vmem>>) offsets(%dma_start3A_77 : memref<128xi32, #tpu.memory_space<vmem>>) semaphore(%arg15 : memref<!tpu.dma_semaphore, #tpu.memory_space<semaphore_mem>>)
    %scan3A_81 = arith.constant 0 : i32
    %scan3A_82 = arith.constant 0 : i32
    %scan3A_83 = arith.constant 19 : i32
    %scan3A_84 = arith.addi %scan3A_82, %scan3A_83 : i32
    %scan3A_85 = arith.constant 1 : i32
    %scan3A_86 = scf.for %scan3A_350 = %scan3A_82 to %scan3A_84 step %scan3A_85 iter_args(%scan3A_351 = %scan3A_81) -> (i32)  : i32 {
      %mul3A_352 = arith.constant 2 : i32
      %mul3A_353 = arith.muli %mul3A_352, %scan3A_350 : i32
      %add3A_354 = arith.constant 0 : i32
      %add3A_355 = arith.addi %mul3A_353, %add3A_354 : i32
      %dma_wait3A_356 = arith.constant 0 : i32
      %dma_wait3A_357 = arith.constant 0 : i32
      %dma_wait3A_358 = arith.constant 0 : i32
      %dma_wait3A_359 = arith.constant 0 : i32
      %dma_wait3A_360 = tpu.memref_slice %arg9[%dma_wait3A_356, %dma_wait3A_357, %dma_wait3A_358, %dma_wait3A_359] : memref<2x1x128x128xf32, #tpu.memory_space<vmem>> -> memref<1x1x128x128xf32, #tpu.memory_space<vmem>>
      %dma_wait3A_361 = tpu.memref_squeeze %dma_wait3A_360 : memref<1x1x128x128xf32, #tpu.memory_space<vmem>> -> memref<128x128xf32, #tpu.memory_space<vmem>>
      %dma_wait3A_362 = arith.constant 0 : i32
      %dma_wait3A_363 = arith.constant 0 : i32
      %dma_wait3A_364 = tpu.memref_slice %arg2[%dma_wait3A_362, %dma_wait3A_363] : memref<10000x128xf32, #tpu.memory_space<hbm>> -> memref<128x128xf32, #tpu.memory_space<hbm>>
      %dma_wait3A_365 = arith.constant 0 : i32
      %dma_wait3A_366 = arith.constant 0 : i32
      %dma_wait3A_367 = tpu.memref_slice %arg9[%dma_wait3A_356, %dma_wait3A_357, %dma_wait3A_365, %dma_wait3A_366] : memref<2x1x128x128xf32, #tpu.memory_space<vmem>> -> memref<1x1x128x128xf32, #tpu.memory_space<vmem>>
      %dma_wait3A_368 = tpu.memref_squeeze %dma_wait3A_367 : memref<1x1x128x128xf32, #tpu.memory_space<vmem>> -> memref<128x128xf32, #tpu.memory_space<vmem>>
      %dma_wait3A_369 = arith.constant 0 : i32
      %dma_wait3A_370 = arith.constant 0 : i32
      %dma_wait3A_371 = tpu.memref_slice %arg2[%dma_wait3A_369, %dma_wait3A_370] : memref<10000x128xf32, #tpu.memory_space<hbm>> -> memref<128x128xf32, #tpu.memory_space<hbm>>
      tpu.wait_dma2 semaphore(%arg14 : memref<!tpu.dma_semaphore, #tpu.memory_space<semaphore_mem>>) src(%dma_wait3A_371 : memref<128x128xf32, #tpu.memory_space<hbm>>) dst(%dma_wait3A_368 : memref<128x128xf32, #tpu.memory_space<vmem>>)
      %mul3A_372 = arith.constant 1 : i32
      %mul3A_373 = arith.muli %add3A_355, %mul3A_372 : i32
      %add3A_374 = arith.constant 0 : i32
      %add3A_375 = arith.addi %mul3A_373, %add3A_374 : i32
      %dma_start3A_376 = arith.constant 0 : i32
      %dma_start3A_377 = arith.constant 0 : i32
      %dma_start3A_378 = arith.constant 0 : i32
      %dma_start3A_379 = arith.constant 0 : i32
      %dma_start3A_380 = tpu.memref_slice %arg9[%dma_start3A_376, %dma_start3A_377, %dma_start3A_378, %dma_start3A_379] : memref<2x1x128x128xf32, #tpu.memory_space<vmem>> -> memref<1x1x128x128xf32, #tpu.memory_space<vmem>>
      %dma_start3A_381 = tpu.memref_squeeze %dma_start3A_380 : memref<1x1x128x128xf32, #tpu.memory_space<vmem>> -> memref<128x128xf32, #tpu.memory_space<vmem>>
      %dma_start3A_382 = arith.constant 0 : i32
      %dma_start3A_383 = tpu.memref_slice %arg11[%add3A_375, %dma_start3A_382] : memref<40x128xi32, #tpu.memory_space<vmem>> -> memref<1x128xi32, #tpu.memory_space<vmem>>
      %dma_start3A_384 = tpu.memref_squeeze %dma_start3A_383 : memref<1x128xi32, #tpu.memory_space<vmem>> -> memref<128xi32, #tpu.memory_space<vmem>>
      %dma_start3A_385 = arith.constant 0 : i32
      %dma_start3A_386 = arith.constant 0 : i32
      %dma_start3A_387 = tpu.memref_slice %arg7[%dma_start3A_385, %dma_start3A_386] : memref<10240x128xf32, #tpu.memory_space<vmem_shared>> -> memref<10240x128xf32, #tpu.memory_space<vmem_shared>>
      tpu.enqueue_indirect_dma source(%dma_start3A_381 : memref<128x128xf32, #tpu.memory_space<vmem>>) target(%dma_start3A_387 : memref<10240x128xf32, #tpu.memory_space<vmem_shared>>) offsets(%dma_start3A_384 : memref<128xi32, #tpu.memory_space<vmem>>) semaphore(%arg16 : memref<!tpu.dma_semaphore, #tpu.memory_space<semaphore_mem>>) {add = true}
      %dma_start3A_388 = arith.constant 0 : i32
      %dma_start3A_389 = tpu.memref_slice %arg11[%add3A_375, %dma_start3A_388] : memref<40x128xi32, #tpu.memory_space<vmem>> -> memref<1x128xi32, #tpu.memory_space<vmem>>
      %dma_start3A_390 = tpu.memref_squeeze %dma_start3A_389 : memref<1x128xi32, #tpu.memory_space<vmem>> -> memref<128xi32, #tpu.memory_space<vmem>>
      %dma_start3A_391 = arith.constant 0 : i32
      %dma_start3A_392 = tpu.memref_slice %arg8[%dma_start3A_391] : memref<10240xf32, #tpu.memory_space<vmem_shared>> -> memref<10240xf32, #tpu.memory_space<vmem_shared>>
      tpu.enqueue_indirect_dma source(%arg12 : memref<128xf32, #tpu.memory_space<vmem>>) target(%dma_start3A_392 : memref<10240xf32, #tpu.memory_space<vmem_shared>>) offsets(%dma_start3A_390 : memref<128xi32, #tpu.memory_space<vmem>>) semaphore(%arg18 : memref<!tpu.dma_semaphore, #tpu.memory_space<semaphore_mem>>) {add = true}
      %dma_wait3A_393 = arith.constant 0 : i32
      %dma_wait3A_394 = arith.constant 0 : i32
      %dma_wait3A_395 = arith.constant 0 : i32
      %dma_wait3A_396 = arith.constant 0 : i32
      %dma_wait3A_397 = tpu.memref_slice %arg9[%dma_wait3A_393, %dma_wait3A_394, %dma_wait3A_395, %dma_wait3A_396] : memref<2x1x128x128xf32, #tpu.memory_space<vmem>> -> memref<1x1x128x128xf32, #tpu.memory_space<vmem>>
      %dma_wait3A_398 = tpu.memref_squeeze %dma_wait3A_397 : memref<1x1x128x128xf32, #tpu.memory_space<vmem>> -> memref<128x128xf32, #tpu.memory_space<vmem>>
      %dma_wait3A_399 = arith.constant 0 : i32
      %dma_wait3A_400 = tpu.memref_slice %arg11[%add3A_375, %dma_wait3A_399] : memref<40x128xi32, #tpu.memory_space<vmem>> -> memref<1x128xi32, #tpu.memory_space<vmem>>
      %dma_wait3A_401 = tpu.memref_squeeze %dma_wait3A_400 : memref<1x128xi32, #tpu.memory_space<vmem>> -> memref<128xi32, #tpu.memory_space<vmem>>
      %dma_wait3A_402 = arith.constant 0 : i32
      %dma_wait3A_403 = arith.constant 0 : i32
      %dma_wait3A_404 = tpu.memref_slice %arg7[%dma_wait3A_402, %dma_wait3A_403] : memref<10240x128xf32, #tpu.memory_space<vmem_shared>> -> memref<10240x128xf32, #tpu.memory_space<vmem_shared>>
      tpu.wait_indirect_dma semaphore(%arg16 : memref<!tpu.dma_semaphore, #tpu.memory_space<semaphore_mem>>) src(%dma_wait3A_398 : memref<128x128xf32, #tpu.memory_space<vmem>>) dst(%dma_wait3A_404 : memref<10240x128xf32, #tpu.memory_space<vmem_shared>>)
      %add3A_405 = arith.constant 2 : i32
      %add3A_406 = arith.addi %add3A_355, %add3A_405 : i32
      %mul3A_407 = arith.constant 1 : i32
      %mul3A_408 = arith.muli %add3A_406, %mul3A_407 : i32
      %add3A_409 = arith.constant 0 : i32
      %add3A_410 = arith.addi %mul3A_408, %add3A_409 : i32
      %mul3A_411 = arith.constant 128 : i32
      %mul3A_412 = arith.muli %add3A_410, %mul3A_411 : i32
      %dma_start3A_413 = arith.constant 0 : i32
      %dma_start3A_414 = arith.constant 0 : i32
      %dma_start3A_415 = arith.constant 0 : i32
      %dma_start3A_416 = arith.constant 0 : i32
      %dma_start3A_417 = tpu.memref_slice %arg9[%dma_start3A_413, %dma_start3A_414, %dma_start3A_415, %dma_start3A_416] : memref<2x1x128x128xf32, #tpu.memory_space<vmem>> -> memref<1x1x128x128xf32, #tpu.memory_space<vmem>>
      %dma_start3A_418 = tpu.memref_squeeze %dma_start3A_417 : memref<1x1x128x128xf32, #tpu.memory_space<vmem>> -> memref<128x128xf32, #tpu.memory_space<vmem>>
      %dma_start3A_419 = tpu.memref_slice %arg10[%mul3A_412] : memref<5120xi32, #tpu.memory_space<vmem>> -> memref<128xi32, #tpu.memory_space<vmem>>
      %dma_start3A_420 = arith.constant 0 : i32
      %dma_start3A_421 = arith.constant 0 : i32
      %dma_start3A_422 = tpu.memref_slice %arg2[%dma_start3A_420, %dma_start3A_421] : memref<10000x128xf32, #tpu.memory_space<hbm>> -> memref<10000x128xf32, #tpu.memory_space<hbm>>
      tpu.enqueue_indirect_dma source(%dma_start3A_422 : memref<10000x128xf32, #tpu.memory_space<hbm>>) target(%dma_start3A_418 : memref<128x128xf32, #tpu.memory_space<vmem>>) offsets(%dma_start3A_419 : memref<128xi32, #tpu.memory_space<vmem>>) semaphore(%arg14 : memref<!tpu.dma_semaphore, #tpu.memory_space<semaphore_mem>>)
      %dma_wait3A_423 = arith.constant 0 : i32
      %dma_wait3A_424 = tpu.memref_slice %arg11[%add3A_375, %dma_wait3A_423] : memref<40x128xi32, #tpu.memory_space<vmem>> -> memref<1x128xi32, #tpu.memory_space<vmem>>
      %dma_wait3A_425 = tpu.memref_squeeze %dma_wait3A_424 : memref<1x128xi32, #tpu.memory_space<vmem>> -> memref<128xi32, #tpu.memory_space<vmem>>
      %dma_wait3A_426 = arith.constant 0 : i32
      %dma_wait3A_427 = tpu.memref_slice %arg8[%dma_wait3A_426] : memref<10240xf32, #tpu.memory_space<vmem_shared>> -> memref<10240xf32, #tpu.memory_space<vmem_shared>>
      tpu.wait_indirect_dma semaphore(%arg18 : memref<!tpu.dma_semaphore, #tpu.memory_space<semaphore_mem>>) src(%arg12 : memref<128xf32, #tpu.memory_space<vmem>>) dst(%dma_wait3A_427 : memref<10240xf32, #tpu.memory_space<vmem_shared>>)
      %mul3A_428 = arith.constant 2 : i32
      %mul3A_429 = arith.muli %mul3A_428, %scan3A_350 : i32
      %add3A_430 = arith.constant 1 : i32
      %add3A_431 = arith.addi %mul3A_429, %add3A_430 : i32
      %dma_wait3A_432 = arith.constant 1 : i32
      %dma_wait3A_433 = arith.constant 0 : i32
      %dma_wait3A_434 = arith.constant 0 : i32
      %dma_wait3A_435 = arith.constant 0 : i32
      %dma_wait3A_436 = tpu.memref_slice %arg9[%dma_wait3A_432, %dma_wait3A_433, %dma_wait3A_434, %dma_wait3A_435] : memref<2x1x128x128xf32, #tpu.memory_space<vmem>> -> memref<1x1x128x128xf32, #tpu.memory_space<vmem>>
      %dma_wait3A_437 = tpu.memref_squeeze %dma_wait3A_436 : memref<1x1x128x128xf32, #tpu.memory_space<vmem>> -> memref<128x128xf32, #tpu.memory_space<vmem>>
      %dma_wait3A_438 = arith.constant 0 : i32
      %dma_wait3A_439 = arith.constant 0 : i32
      %dma_wait3A_440 = tpu.memref_slice %arg2[%dma_wait3A_438, %dma_wait3A_439] : memref<10000x128xf32, #tpu.memory_space<hbm>> -> memref<128x128xf32, #tpu.memory_space<hbm>>
      %dma_wait3A_441 = arith.constant 0 : i32
      %dma_wait3A_442 = arith.constant 0 : i32
      %dma_wait3A_443 = tpu.memref_slice %arg9[%dma_wait3A_432, %dma_wait3A_433, %dma_wait3A_441, %dma_wait3A_442] : memref<2x1x128x128xf32, #tpu.memory_space<vmem>> -> memref<1x1x128x128xf32, #tpu.memory_space<vmem>>
      %dma_wait3A_444 = tpu.memref_squeeze %dma_wait3A_443 : memref<1x1x128x128xf32, #tpu.memory_space<vmem>> -> memref<128x128xf32, #tpu.memory_space<vmem>>
      %dma_wait3A_445 = arith.constant 0 : i32
      %dma_wait3A_446 = arith.constant 0 : i32
      %dma_wait3A_447 = tpu.memref_slice %arg2[%dma_wait3A_445, %dma_wait3A_446] : memref<10000x128xf32, #tpu.memory_space<hbm>> -> memref<128x128xf32, #tpu.memory_space<hbm>>
      tpu.wait_dma2 semaphore(%arg15 : memref<!tpu.dma_semaphore, #tpu.memory_space<semaphore_mem>>) src(%dma_wait3A_447 : memref<128x128xf32, #tpu.memory_space<hbm>>) dst(%dma_wait3A_444 : memref<128x128xf32, #tpu.memory_space<vmem>>)
      %mul3A_448 = arith.constant 1 : i32
      %mul3A_449 = arith.muli %add3A_431, %mul3A_448 : i32
      %add3A_450 = arith.constant 0 : i32
      %add3A_451 = arith.addi %mul3A_449, %add3A_450 : i32
      %dma_start3A_452 = arith.constant 1 : i32
      %dma_start3A_453 = arith.constant 0 : i32
      %dma_start3A_454 = arith.constant 0 : i32
      %dma_start3A_455 = arith.constant 0 : i32
      %dma_start3A_456 = tpu.memref_slice %arg9[%dma_start3A_452, %dma_start3A_453, %dma_start3A_454, %dma_start3A_455] : memref<2x1x128x128xf32, #tpu.memory_space<vmem>> -> memref<1x1x128x128xf32, #tpu.memory_space<vmem>>
      %dma_start3A_457 = tpu.memref_squeeze %dma_start3A_456 : memref<1x1x128x128xf32, #tpu.memory_space<vmem>> -> memref<128x128xf32, #tpu.memory_space<vmem>>
      %dma_start3A_458 = arith.constant 0 : i32
      %dma_start3A_459 = tpu.memref_slice %arg11[%add3A_451, %dma_start3A_458] : memref<40x128xi32, #tpu.memory_space<vmem>> -> memref<1x128xi32, #tpu.memory_space<vmem>>
      %dma_start3A_460 = tpu.memref_squeeze %dma_start3A_459 : memref<1x128xi32, #tpu.memory_space<vmem>> -> memref<128xi32, #tpu.memory_space<vmem>>
      %dma_start3A_461 = arith.constant 0 : i32
      %dma_start3A_462 = arith.constant 0 : i32
      %dma_start3A_463 = tpu.memref_slice %arg7[%dma_start3A_461, %dma_start3A_462] : memref<10240x128xf32, #tpu.memory_space<vmem_shared>> -> memref<10240x128xf32, #tpu.memory_space<vmem_shared>>
      tpu.enqueue_indirect_dma source(%dma_start3A_457 : memref<128x128xf32, #tpu.memory_space<vmem>>) target(%dma_start3A_463 : memref<10240x128xf32, #tpu.memory_space<vmem_shared>>) offsets(%dma_start3A_460 : memref<128xi32, #tpu.memory_space<vmem>>) semaphore(%arg17 : memref<!tpu.dma_semaphore, #tpu.memory_space<semaphore_mem>>) {add = true}
      %dma_start3A_464 = arith.constant 0 : i32
      %dma_start3A_465 = tpu.memref_slice %arg11[%add3A_451, %dma_start3A_464] : memref<40x128xi32, #tpu.memory_space<vmem>> -> memref<1x128xi32, #tpu.memory_space<vmem>>
      %dma_start3A_466 = tpu.memref_squeeze %dma_start3A_465 : memref<1x128xi32, #tpu.memory_space<vmem>> -> memref<128xi32, #tpu.memory_space<vmem>>
      %dma_start3A_467 = arith.constant 0 : i32
      %dma_start3A_468 = tpu.memref_slice %arg8[%dma_start3A_467] : memref<10240xf32, #tpu.memory_space<vmem_shared>> -> memref<10240xf32, #tpu.memory_space<vmem_shared>>
      tpu.enqueue_indirect_dma source(%arg12 : memref<128xf32, #tpu.memory_space<vmem>>) target(%dma_start3A_468 : memref<10240xf32, #tpu.memory_space<vmem_shared>>) offsets(%dma_start3A_466 : memref<128xi32, #tpu.memory_space<vmem>>) semaphore(%arg19 : memref<!tpu.dma_semaphore, #tpu.memory_space<semaphore_mem>>) {add = true}
      %dma_wait3A_469 = arith.constant 1 : i32
      %dma_wait3A_470 = arith.constant 0 : i32
      %dma_wait3A_471 = arith.constant 0 : i32
      %dma_wait3A_472 = arith.constant 0 : i32
      %dma_wait3A_473 = tpu.memref_slice %arg9[%dma_wait3A_469, %dma_wait3A_470, %dma_wait3A_471, %dma_wait3A_472] : memref<2x1x128x128xf32, #tpu.memory_space<vmem>> -> memref<1x1x128x128xf32, #tpu.memory_space<vmem>>
      %dma_wait3A_474 = tpu.memref_squeeze %dma_wait3A_473 : memref<1x1x128x128xf32, #tpu.memory_space<vmem>> -> memref<128x128xf32, #tpu.memory_space<vmem>>
      %dma_wait3A_475 = arith.constant 0 : i32
      %dma_wait3A_476 = tpu.memref_slice %arg11[%add3A_451, %dma_wait3A_475] : memref<40x128xi32, #tpu.memory_space<vmem>> -> memref<1x128xi32, #tpu.memory_space<vmem>>
      %dma_wait3A_477 = tpu.memref_squeeze %dma_wait3A_476 : memref<1x128xi32, #tpu.memory_space<vmem>> -> memref<128xi32, #tpu.memory_space<vmem>>
      %dma_wait3A_478 = arith.constant 0 : i32
      %dma_wait3A_479 = arith.constant 0 : i32
      %dma_wait3A_480 = tpu.memref_slice %arg7[%dma_wait3A_478, %dma_wait3A_479] : memref<10240x128xf32, #tpu.memory_space<vmem_shared>> -> memref<10240x128xf32, #tpu.memory_space<vmem_shared>>
      tpu.wait_indirect_dma semaphore(%arg17 : memref<!tpu.dma_semaphore, #tpu.memory_space<semaphore_mem>>) src(%dma_wait3A_474 : memref<128x128xf32, #tpu.memory_space<vmem>>) dst(%dma_wait3A_480 : memref<10240x128xf32, #tpu.memory_space<vmem_shared>>)
      %add3A_481 = arith.constant 2 : i32
      %add3A_482 = arith.addi %add3A_431, %add3A_481 : i32
      %mul3A_483 = arith.constant 1 : i32
      %mul3A_484 = arith.muli %add3A_482, %mul3A_483 : i32
      %add3A_485 = arith.constant 0 : i32
      %add3A_486 = arith.addi %mul3A_484, %add3A_485 : i32
      %mul3A_487 = arith.constant 128 : i32
      %mul3A_488 = arith.muli %add3A_486, %mul3A_487 : i32
      %dma_start3A_489 = arith.constant 1 : i32
      %dma_start3A_490 = arith.constant 0 : i32
      %dma_start3A_491 = arith.constant 0 : i32
      %dma_start3A_492 = arith.constant 0 : i32
      %dma_start3A_493 = tpu.memref_slice %arg9[%dma_start3A_489, %dma_start3A_490, %dma_start3A_491, %dma_start3A_492] : memref<2x1x128x128xf32, #tpu.memory_space<vmem>> -> memref<1x1x128x128xf32, #tpu.memory_space<vmem>>
      %dma_start3A_494 = tpu.memref_squeeze %dma_start3A_493 : memref<1x1x128x128xf32, #tpu.memory_space<vmem>> -> memref<128x128xf32, #tpu.memory_space<vmem>>
      %dma_start3A_495 = tpu.memref_slice %arg10[%mul3A_488] : memref<5120xi32, #tpu.memory_space<vmem>> -> memref<128xi32, #tpu.memory_space<vmem>>
      %dma_start3A_496 = arith.constant 0 : i32
      %dma_start3A_497 = arith.constant 0 : i32
      %dma_start3A_498 = tpu.memref_slice %arg2[%dma_start3A_496, %dma_start3A_497] : memref<10000x128xf32, #tpu.memory_space<hbm>> -> memref<10000x128xf32, #tpu.memory_space<hbm>>
      tpu.enqueue_indirect_dma source(%dma_start3A_498 : memref<10000x128xf32, #tpu.memory_space<hbm>>) target(%dma_start3A_494 : memref<128x128xf32, #tpu.memory_space<vmem>>) offsets(%dma_start3A_495 : memref<128xi32, #tpu.memory_space<vmem>>) semaphore(%arg15 : memref<!tpu.dma_semaphore, #tpu.memory_space<semaphore_mem>>)
      %dma_wait3A_499 = arith.constant 0 : i32
      %dma_wait3A_500 = tpu.memref_slice %arg11[%add3A_451, %dma_wait3A_499] : memref<40x128xi32, #tpu.memory_space<vmem>> -> memref<1x128xi32, #tpu.memory_space<vmem>>
      %dma_wait3A_501 = tpu.memref_squeeze %dma_wait3A_500 : memref<1x128xi32, #tpu.memory_space<vmem>> -> memref<128xi32, #tpu.memory_space<vmem>>
      %dma_wait3A_502 = arith.constant 0 : i32
      %dma_wait3A_503 = tpu.memref_slice %arg8[%dma_wait3A_502] : memref<10240xf32, #tpu.memory_space<vmem_shared>> -> memref<10240xf32, #tpu.memory_space<vmem_shared>>
      tpu.wait_indirect_dma semaphore(%arg19 : memref<!tpu.dma_semaphore, #tpu.memory_space<semaphore_mem>>) src(%arg12 : memref<128xf32, #tpu.memory_space<vmem>>) dst(%dma_wait3A_503 : memref<10240xf32, #tpu.memory_space<vmem_shared>>)
      %scan3A_504 = arith.constant 0 : i32
      scf.yield %scan3A_504 : i32
    }
    %scan3A_87 = arith.constant 19 : i32
    %dma_wait3A = arith.constant 0 : i32
    %dma_wait3A_88 = arith.constant 0 : i32
    %dma_wait3A_89 = arith.constant 0 : i32
    %dma_wait3A_90 = arith.constant 0 : i32
    %dma_wait3A_91 = tpu.memref_slice %arg9[%dma_wait3A, %dma_wait3A_88, %dma_wait3A_89, %dma_wait3A_90] : memref<2x1x128x128xf32, #tpu.memory_space<vmem>> -> memref<1x1x128x128xf32, #tpu.memory_space<vmem>>
    %dma_wait3A_92 = tpu.memref_squeeze %dma_wait3A_91 : memref<1x1x128x128xf32, #tpu.memory_space<vmem>> -> memref<128x128xf32, #tpu.memory_space<vmem>>
    %dma_wait3A_93 = arith.constant 0 : i32
    %dma_wait3A_94 = arith.constant 0 : i32
    %dma_wait3A_95 = tpu.memref_slice %arg2[%dma_wait3A_93, %dma_wait3A_94] : memref<10000x128xf32, #tpu.memory_space<hbm>> -> memref<128x128xf32, #tpu.memory_space<hbm>>
    %dma_wait3A_96 = arith.constant 0 : i32
    %dma_wait3A_97 = arith.constant 0 : i32
    %dma_wait3A_98 = tpu.memref_slice %arg9[%dma_wait3A, %dma_wait3A_88, %dma_wait3A_96, %dma_wait3A_97] : memref<2x1x128x128xf32, #tpu.memory_space<vmem>> -> memref<1x1x128x128xf32, #tpu.memory_space<vmem>>
    %dma_wait3A_99 = tpu.memref_squeeze %dma_wait3A_98 : memref<1x1x128x128xf32, #tpu.memory_space<vmem>> -> memref<128x128xf32, #tpu.memory_space<vmem>>
    %dma_wait3A_100 = arith.constant 0 : i32
    %dma_wait3A_101 = arith.constant 0 : i32
    %dma_wait3A_102 = tpu.memref_slice %arg2[%dma_wait3A_100, %dma_wait3A_101] : memref<10000x128xf32, #tpu.memory_space<hbm>> -> memref<128x128xf32, #tpu.memory_space<hbm>>
    tpu.wait_dma2 semaphore(%arg14 : memref<!tpu.dma_semaphore, #tpu.memory_space<semaphore_mem>>) src(%dma_wait3A_102 : memref<128x128xf32, #tpu.memory_space<hbm>>) dst(%dma_wait3A_99 : memref<128x128xf32, #tpu.memory_space<vmem>>)
    %dma_start3A_103 = arith.constant 0 : i32
    %dma_start3A_104 = arith.constant 0 : i32
    %dma_start3A_105 = arith.constant 38 : i32
    %dma_start3A_106 = arith.constant 0 : i32
    %dma_start3A_107 = arith.constant 0 : i32
    %dma_start3A_108 = tpu.memref_slice %arg9[%dma_start3A_103, %dma_start3A_104, %dma_start3A_106, %dma_start3A_107] : memref<2x1x128x128xf32, #tpu.memory_space<vmem>> -> memref<1x1x128x128xf32, #tpu.memory_space<vmem>>
    %dma_start3A_109 = tpu.memref_squeeze %dma_start3A_108 : memref<1x1x128x128xf32, #tpu.memory_space<vmem>> -> memref<128x128xf32, #tpu.memory_space<vmem>>
    %dma_start3A_110 = arith.constant 0 : i32
    %dma_start3A_111 = tpu.memref_slice %arg11[%dma_start3A_105, %dma_start3A_110] : memref<40x128xi32, #tpu.memory_space<vmem>> -> memref<1x128xi32, #tpu.memory_space<vmem>>
    %dma_start3A_112 = tpu.memref_squeeze %dma_start3A_111 : memref<1x128xi32, #tpu.memory_space<vmem>> -> memref<128xi32, #tpu.memory_space<vmem>>
    %dma_start3A_113 = arith.constant 0 : i32
    %dma_start3A_114 = arith.constant 0 : i32
    %dma_start3A_115 = tpu.memref_slice %arg7[%dma_start3A_113, %dma_start3A_114] : memref<10240x128xf32, #tpu.memory_space<vmem_shared>> -> memref<10240x128xf32, #tpu.memory_space<vmem_shared>>
    tpu.enqueue_indirect_dma source(%dma_start3A_109 : memref<128x128xf32, #tpu.memory_space<vmem>>) target(%dma_start3A_115 : memref<10240x128xf32, #tpu.memory_space<vmem_shared>>) offsets(%dma_start3A_112 : memref<128xi32, #tpu.memory_space<vmem>>) semaphore(%arg16 : memref<!tpu.dma_semaphore, #tpu.memory_space<semaphore_mem>>) {add = true}
    %dma_start3A_116 = arith.constant 38 : i32
    %dma_start3A_117 = arith.constant 0 : i32
    %dma_start3A_118 = tpu.memref_slice %arg11[%dma_start3A_116, %dma_start3A_117] : memref<40x128xi32, #tpu.memory_space<vmem>> -> memref<1x128xi32, #tpu.memory_space<vmem>>
    %dma_start3A_119 = tpu.memref_squeeze %dma_start3A_118 : memref<1x128xi32, #tpu.memory_space<vmem>> -> memref<128xi32, #tpu.memory_space<vmem>>
    %dma_start3A_120 = arith.constant 0 : i32
    %dma_start3A_121 = tpu.memref_slice %arg8[%dma_start3A_120] : memref<10240xf32, #tpu.memory_space<vmem_shared>> -> memref<10240xf32, #tpu.memory_space<vmem_shared>>
    tpu.enqueue_indirect_dma source(%arg12 : memref<128xf32, #tpu.memory_space<vmem>>) target(%dma_start3A_121 : memref<10240xf32, #tpu.memory_space<vmem_shared>>) offsets(%dma_start3A_119 : memref<128xi32, #tpu.memory_space<vmem>>) semaphore(%arg18 : memref<!tpu.dma_semaphore, #tpu.memory_space<semaphore_mem>>) {add = true}
    %dma_wait3A_122 = arith.constant 0 : i32
    %dma_wait3A_123 = arith.constant 0 : i32
    %dma_wait3A_124 = arith.constant 38 : i32
    %dma_wait3A_125 = arith.constant 0 : i32
    %dma_wait3A_126 = arith.constant 0 : i32
    %dma_wait3A_127 = tpu.memref_slice %arg9[%dma_wait3A_122, %dma_wait3A_123, %dma_wait3A_125, %dma_wait3A_126] : memref<2x1x128x128xf32, #tpu.memory_space<vmem>> -> memref<1x1x128x128xf32, #tpu.memory_space<vmem>>
    %dma_wait3A_128 = tpu.memref_squeeze %dma_wait3A_127 : memref<1x1x128x128xf32, #tpu.memory_space<vmem>> -> memref<128x128xf32, #tpu.memory_space<vmem>>
    %dma_wait3A_129 = arith.constant 0 : i32
    %dma_wait3A_130 = tpu.memref_slice %arg11[%dma_wait3A_124, %dma_wait3A_129] : memref<40x128xi32, #tpu.memory_space<vmem>> -> memref<1x128xi32, #tpu.memory_space<vmem>>
    %dma_wait3A_131 = tpu.memref_squeeze %dma_wait3A_130 : memref<1x128xi32, #tpu.memory_space<vmem>> -> memref<128xi32, #tpu.memory_space<vmem>>
    %dma_wait3A_132 = arith.constant 0 : i32
    %dma_wait3A_133 = arith.constant 0 : i32
    %dma_wait3A_134 = tpu.memref_slice %arg7[%dma_wait3A_132, %dma_wait3A_133] : memref<10240x128xf32, #tpu.memory_space<vmem_shared>> -> memref<10240x128xf32, #tpu.memory_space<vmem_shared>>
    tpu.wait_indirect_dma semaphore(%arg16 : memref<!tpu.dma_semaphore, #tpu.memory_space<semaphore_mem>>) src(%dma_wait3A_128 : memref<128x128xf32, #tpu.memory_space<vmem>>) dst(%dma_wait3A_134 : memref<10240x128xf32, #tpu.memory_space<vmem_shared>>)
    %dma_wait3A_135 = arith.constant 38 : i32
    %dma_wait3A_136 = arith.constant 0 : i32
    %dma_wait3A_137 = tpu.memref_slice %arg11[%dma_wait3A_135, %dma_wait3A_136] : memref<40x128xi32, #tpu.memory_space<vmem>> -> memref<1x128xi32, #tpu.memory_space<vmem>>
    %dma_wait3A_138 = tpu.memref_squeeze %dma_wait3A_137 : memref<1x128xi32, #tpu.memory_space<vmem>> -> memref<128xi32, #tpu.memory_space<vmem>>
    %dma_wait3A_139 = arith.constant 0 : i32
    %dma_wait3A_140 = tpu.memref_slice %arg8[%dma_wait3A_139] : memref<10240xf32, #tpu.memory_space<vmem_shared>> -> memref<10240xf32, #tpu.memory_space<vmem_shared>>
    tpu.wait_indirect_dma semaphore(%arg18 : memref<!tpu.dma_semaphore, #tpu.memory_space<semaphore_mem>>) src(%arg12 : memref<128xf32, #tpu.memory_space<vmem>>) dst(%dma_wait3A_140 : memref<10240xf32, #tpu.memory_space<vmem_shared>>)
    %dma_wait3A_141 = arith.constant 1 : i32
    %dma_wait3A_142 = arith.constant 0 : i32
    %dma_wait3A_143 = arith.constant 0 : i32
    %dma_wait3A_144 = arith.constant 0 : i32
    %dma_wait3A_145 = tpu.memref_slice %arg9[%dma_wait3A_141, %dma_wait3A_142, %dma_wait3A_143, %dma_wait3A_144] : memref<2x1x128x128xf32, #tpu.memory_space<vmem>> -> memref<1x1x128x128xf32, #tpu.memory_space<vmem>>
    %dma_wait3A_146 = tpu.memref_squeeze %dma_wait3A_145 : memref<1x1x128x128xf32, #tpu.memory_space<vmem>> -> memref<128x128xf32, #tpu.memory_space<vmem>>
    %dma_wait3A_147 = arith.constant 0 : i32
    %dma_wait3A_148 = arith.constant 0 : i32
    %dma_wait3A_149 = tpu.memref_slice %arg2[%dma_wait3A_147, %dma_wait3A_148] : memref<10000x128xf32, #tpu.memory_space<hbm>> -> memref<128x128xf32, #tpu.memory_space<hbm>>
    %dma_wait3A_150 = arith.constant 0 : i32
    %dma_wait3A_151 = arith.constant 0 : i32
    %dma_wait3A_152 = tpu.memref_slice %arg9[%dma_wait3A_141, %dma_wait3A_142, %dma_wait3A_150, %dma_wait3A_151] : memref<2x1x128x128xf32, #tpu.memory_space<vmem>> -> memref<1x1x128x128xf32, #tpu.memory_space<vmem>>
    %dma_wait3A_153 = tpu.memref_squeeze %dma_wait3A_152 : memref<1x1x128x128xf32, #tpu.memory_space<vmem>> -> memref<128x128xf32, #tpu.memory_space<vmem>>
    %dma_wait3A_154 = arith.constant 0 : i32
    %dma_wait3A_155 = arith.constant 0 : i32
    %dma_wait3A_156 = tpu.memref_slice %arg2[%dma_wait3A_154, %dma_wait3A_155] : memref<10000x128xf32, #tpu.memory_space<hbm>> -> memref<128x128xf32, #tpu.memory_space<hbm>>
    tpu.wait_dma2 semaphore(%arg15 : memref<!tpu.dma_semaphore, #tpu.memory_space<semaphore_mem>>) src(%dma_wait3A_156 : memref<128x128xf32, #tpu.memory_space<hbm>>) dst(%dma_wait3A_153 : memref<128x128xf32, #tpu.memory_space<vmem>>)
    %dma_start3A_157 = arith.constant 1 : i32
    %dma_start3A_158 = arith.constant 0 : i32
    %dma_start3A_159 = arith.constant 39 : i32
    %dma_start3A_160 = arith.constant 0 : i32
    %dma_start3A_161 = arith.constant 0 : i32
    %dma_start3A_162 = tpu.memref_slice %arg9[%dma_start3A_157, %dma_start3A_158, %dma_start3A_160, %dma_start3A_161] : memref<2x1x128x128xf32, #tpu.memory_space<vmem>> -> memref<1x1x128x128xf32, #tpu.memory_space<vmem>>
    %dma_start3A_163 = tpu.memref_squeeze %dma_start3A_162 : memref<1x1x128x128xf32, #tpu.memory_space<vmem>> -> memref<128x128xf32, #tpu.memory_space<vmem>>
    %dma_start3A_164 = arith.constant 0 : i32
    %dma_start3A_165 = tpu.memref_slice %arg11[%dma_start3A_159, %dma_start3A_164] : memref<40x128xi32, #tpu.memory_space<vmem>> -> memref<1x128xi32, #tpu.memory_space<vmem>>
    %dma_start3A_166 = tpu.memref_squeeze %dma_start3A_165 : memref<1x128xi32, #tpu.memory_space<vmem>> -> memref<128xi32, #tpu.memory_space<vmem>>
    %dma_start3A_167 = arith.constant 0 : i32
    %dma_start3A_168 = arith.constant 0 : i32
    %dma_start3A_169 = tpu.memref_slice %arg7[%dma_start3A_167, %dma_start3A_168] : memref<10240x128xf32, #tpu.memory_space<vmem_shared>> -> memref<10240x128xf32, #tpu.memory_space<vmem_shared>>
    tpu.enqueue_indirect_dma source(%dma_start3A_163 : memref<128x128xf32, #tpu.memory_space<vmem>>) target(%dma_start3A_169 : memref<10240x128xf32, #tpu.memory_space<vmem_shared>>) offsets(%dma_start3A_166 : memref<128xi32, #tpu.memory_space<vmem>>) semaphore(%arg17 : memref<!tpu.dma_semaphore, #tpu.memory_space<semaphore_mem>>) {add = true}
    %dma_start3A_170 = arith.constant 39 : i32
    %dma_start3A_171 = arith.constant 0 : i32
    %dma_start3A_172 = tpu.memref_slice %arg11[%dma_start3A_170, %dma_start3A_171] : memref<40x128xi32, #tpu.memory_space<vmem>> -> memref<1x128xi32, #tpu.memory_space<vmem>>
    %dma_start3A_173 = tpu.memref_squeeze %dma_start3A_172 : memref<1x128xi32, #tpu.memory_space<vmem>> -> memref<128xi32, #tpu.memory_space<vmem>>
    %dma_start3A_174 = arith.constant 0 : i32
    %dma_start3A_175 = tpu.memref_slice %arg8[%dma_start3A_174] : memref<10240xf32, #tpu.memory_space<vmem_shared>> -> memref<10240xf32, #tpu.memory_space<vmem_shared>>
    tpu.enqueue_indirect_dma source(%arg12 : memref<128xf32, #tpu.memory_space<vmem>>) target(%dma_start3A_175 : memref<10240xf32, #tpu.memory_space<vmem_shared>>) offsets(%dma_start3A_173 : memref<128xi32, #tpu.memory_space<vmem>>) semaphore(%arg19 : memref<!tpu.dma_semaphore, #tpu.memory_space<semaphore_mem>>) {add = true}
    %dma_wait3A_176 = arith.constant 1 : i32
    %dma_wait3A_177 = arith.constant 0 : i32
    %dma_wait3A_178 = arith.constant 39 : i32
    %dma_wait3A_179 = arith.constant 0 : i32
    %dma_wait3A_180 = arith.constant 0 : i32
    %dma_wait3A_181 = tpu.memref_slice %arg9[%dma_wait3A_176, %dma_wait3A_177, %dma_wait3A_179, %dma_wait3A_180] : memref<2x1x128x128xf32, #tpu.memory_space<vmem>> -> memref<1x1x128x128xf32, #tpu.memory_space<vmem>>
    %dma_wait3A_182 = tpu.memref_squeeze %dma_wait3A_181 : memref<1x1x128x128xf32, #tpu.memory_space<vmem>> -> memref<128x128xf32, #tpu.memory_space<vmem>>
    %dma_wait3A_183 = arith.constant 0 : i32
    %dma_wait3A_184 = tpu.memref_slice %arg11[%dma_wait3A_178, %dma_wait3A_183] : memref<40x128xi32, #tpu.memory_space<vmem>> -> memref<1x128xi32, #tpu.memory_space<vmem>>
    %dma_wait3A_185 = tpu.memref_squeeze %dma_wait3A_184 : memref<1x128xi32, #tpu.memory_space<vmem>> -> memref<128xi32, #tpu.memory_space<vmem>>
    %dma_wait3A_186 = arith.constant 0 : i32
    %dma_wait3A_187 = arith.constant 0 : i32
    %dma_wait3A_188 = tpu.memref_slice %arg7[%dma_wait3A_186, %dma_wait3A_187] : memref<10240x128xf32, #tpu.memory_space<vmem_shared>> -> memref<10240x128xf32, #tpu.memory_space<vmem_shared>>
    tpu.wait_indirect_dma semaphore(%arg17 : memref<!tpu.dma_semaphore, #tpu.memory_space<semaphore_mem>>) src(%dma_wait3A_182 : memref<128x128xf32, #tpu.memory_space<vmem>>) dst(%dma_wait3A_188 : memref<10240x128xf32, #tpu.memory_space<vmem_shared>>)
    %dma_wait3A_189 = arith.constant 39 : i32
    %dma_wait3A_190 = arith.constant 0 : i32
    %dma_wait3A_191 = tpu.memref_slice %arg11[%dma_wait3A_189, %dma_wait3A_190] : memref<40x128xi32, #tpu.memory_space<vmem>> -> memref<1x128xi32, #tpu.memory_space<vmem>>
    %dma_wait3A_192 = tpu.memref_squeeze %dma_wait3A_191 : memref<1x128xi32, #tpu.memory_space<vmem>> -> memref<128xi32, #tpu.memory_space<vmem>>
    %dma_wait3A_193 = arith.constant 0 : i32
    %dma_wait3A_194 = tpu.memref_slice %arg8[%dma_wait3A_193] : memref<10240xf32, #tpu.memory_space<vmem_shared>> -> memref<10240xf32, #tpu.memory_space<vmem_shared>>
    tpu.wait_indirect_dma semaphore(%arg19 : memref<!tpu.dma_semaphore, #tpu.memory_space<semaphore_mem>>) src(%arg12 : memref<128xf32, #tpu.memory_space<vmem>>) dst(%dma_wait3A_194 : memref<10240xf32, #tpu.memory_space<vmem_shared>>)
    %add3A_195 = arith.constant 5120 : i32
    %add3A_196 = arith.addi %multiple_of3A, %add3A_195 : i32
    "tpu.region"() ({
      %run_scoped3A_350 = tpu.sem_alloc : memref<!tpu.dma_semaphore, #tpu.memory_space<semaphore_mem>>
      %dma_start3A_351 = tpu.memref_slice %arg3[%add3A_196] : memref<327680xi32, #tpu.memory_space<hbm>> -> memref<5120xi32, #tpu.memory_space<hbm>>
      %dma_start3A_352 = tpu.memref_slice %arg3[%add3A_196] : memref<327680xi32, #tpu.memory_space<hbm>> -> memref<5120xi32, #tpu.memory_space<hbm>>
      tpu.enqueue_dma source(%dma_start3A_352 : memref<5120xi32, #tpu.memory_space<hbm>>) target(%arg10 : memref<5120xi32, #tpu.memory_space<vmem>>) target_semaphore(%run_scoped3A_350 : memref<!tpu.dma_semaphore, #tpu.memory_space<semaphore_mem>>)
      %dma_wait3A_353 = tpu.memref_slice %arg3[%add3A_196] : memref<327680xi32, #tpu.memory_space<hbm>> -> memref<5120xi32, #tpu.memory_space<hbm>>
      %dma_wait3A_354 = tpu.memref_slice %arg3[%add3A_196] : memref<327680xi32, #tpu.memory_space<hbm>> -> memref<5120xi32, #tpu.memory_space<hbm>>
      tpu.wait_dma2 semaphore(%run_scoped3A_350 : memref<!tpu.dma_semaphore, #tpu.memory_space<semaphore_mem>>) src(%dma_wait3A_354 : memref<5120xi32, #tpu.memory_space<hbm>>) dst(%arg10 : memref<5120xi32, #tpu.memory_space<vmem>>)
      tpu.yield
    }) : () -> ()
    %mul3A_197 = arith.constant 80 : i32
    %mul3A_198 = arith.muli %add3A, %mul3A_197 : i32
    %add3A_199 = arith.constant 40 : i32
    %add3A_200 = arith.addi %mul3A_198, %add3A_199 : i32
    "tpu.region"() ({
      %run_scoped3A_350 = tpu.sem_alloc : memref<!tpu.dma_semaphore, #tpu.memory_space<semaphore_mem>>
      %dma_start3A_351 = arith.constant 0 : i32
      %dma_start3A_352 = tpu.memref_slice %arg4[%add3A_200, %dma_start3A_351] : memref<2560x128xi32, #tpu.memory_space<hbm>> -> memref<40x128xi32, #tpu.memory_space<hbm>>
      %dma_start3A_353 = arith.constant 0 : i32
      %dma_start3A_354 = tpu.memref_slice %arg4[%add3A_200, %dma_start3A_353] : memref<2560x128xi32, #tpu.memory_space<hbm>> -> memref<40x128xi32, #tpu.memory_space<hbm>>
      tpu.enqueue_dma source(%dma_start3A_354 : memref<40x128xi32, #tpu.memory_space<hbm>>) target(%arg11 : memref<40x128xi32, #tpu.memory_space<vmem>>) target_semaphore(%run_scoped3A_350 : memref<!tpu.dma_semaphore, #tpu.memory_space<semaphore_mem>>)
      %dma_wait3A_355 = arith.constant 0 : i32
      %dma_wait3A_356 = tpu.memref_slice %arg4[%add3A_200, %dma_wait3A_355] : memref<2560x128xi32, #tpu.memory_space<hbm>> -> memref<40x128xi32, #tpu.memory_space<hbm>>
      %dma_wait3A_357 = arith.constant 0 : i32
      %dma_wait3A_358 = tpu.memref_slice %arg4[%add3A_200, %dma_wait3A_357] : memref<2560x128xi32, #tpu.memory_space<hbm>> -> memref<40x128xi32, #tpu.memory_space<hbm>>
      tpu.wait_dma2 semaphore(%run_scoped3A_350 : memref<!tpu.dma_semaphore, #tpu.memory_space<semaphore_mem>>) src(%dma_wait3A_358 : memref<40x128xi32, #tpu.memory_space<hbm>>) dst(%arg11 : memref<40x128xi32, #tpu.memory_space<vmem>>)
      tpu.yield
    }) : () -> ()
    %dma_start3A_201 = arith.constant 0 : i32
    %dma_start3A_202 = arith.constant 0 : i32
    %dma_start3A_203 = arith.constant 0 : i32
    %dma_start3A_204 = arith.constant 0 : i32
    %dma_start3A_205 = tpu.memref_slice %arg9[%dma_start3A_201, %dma_start3A_202, %dma_start3A_203, %dma_start3A_204] : memref<2x1x128x128xf32, #tpu.memory_space<vmem>> -> memref<1x1x128x128xf32, #tpu.memory_space<vmem>>
    %dma_start3A_206 = tpu.memref_squeeze %dma_start3A_205 : memref<1x1x128x128xf32, #tpu.memory_space<vmem>> -> memref<128x128xf32, #tpu.memory_space<vmem>>
    %dma_start3A_207 = arith.constant 0 : i32
    %dma_start3A_208 = tpu.memref_slice %arg10[%dma_start3A_207] : memref<5120xi32, #tpu.memory_space<vmem>> -> memref<128xi32, #tpu.memory_space<vmem>>
    %dma_start3A_209 = arith.constant 0 : i32
    %dma_start3A_210 = arith.constant 0 : i32
    %dma_start3A_211 = tpu.memref_slice %arg2[%dma_start3A_209, %dma_start3A_210] : memref<10000x128xf32, #tpu.memory_space<hbm>> -> memref<10000x128xf32, #tpu.memory_space<hbm>>
    tpu.enqueue_indirect_dma source(%dma_start3A_211 : memref<10000x128xf32, #tpu.memory_space<hbm>>) target(%dma_start3A_206 : memref<128x128xf32, #tpu.memory_space<vmem>>) offsets(%dma_start3A_208 : memref<128xi32, #tpu.memory_space<vmem>>) semaphore(%arg14 : memref<!tpu.dma_semaphore, #tpu.memory_space<semaphore_mem>>)
    %dma_start3A_212 = arith.constant 1 : i32
    %dma_start3A_213 = arith.constant 0 : i32
    %dma_start3A_214 = arith.constant 0 : i32
    %dma_start3A_215 = arith.constant 0 : i32
    %dma_start3A_216 = tpu.memref_slice %arg9[%dma_start3A_212, %dma_start3A_213, %dma_start3A_214, %dma_start3A_215] : memref<2x1x128x128xf32, #tpu.memory_space<vmem>> -> memref<1x1x128x128xf32, #tpu.memory_space<vmem>>
    %dma_start3A_217 = tpu.memref_squeeze %dma_start3A_216 : memref<1x1x128x128xf32, #tpu.memory_space<vmem>> -> memref<128x128xf32, #tpu.memory_space<vmem>>
    %dma_start3A_218 = arith.constant 128 : i32
    %dma_start3A_219 = tpu.memref_slice %arg10[%dma_start3A_218] : memref<5120xi32, #tpu.memory_space<vmem>> -> memref<128xi32, #tpu.memory_space<vmem>>
    %dma_start3A_220 = arith.constant 0 : i32
    %dma_start3A_221 = arith.constant 0 : i32
    %dma_start3A_222 = tpu.memref_slice %arg2[%dma_start3A_220, %dma_start3A_221] : memref<10000x128xf32, #tpu.memory_space<hbm>> -> memref<10000x128xf32, #tpu.memory_space<hbm>>
    tpu.enqueue_indirect_dma source(%dma_start3A_222 : memref<10000x128xf32, #tpu.memory_space<hbm>>) target(%dma_start3A_217 : memref<128x128xf32, #tpu.memory_space<vmem>>) offsets(%dma_start3A_219 : memref<128xi32, #tpu.memory_space<vmem>>) semaphore(%arg15 : memref<!tpu.dma_semaphore, #tpu.memory_space<semaphore_mem>>)
    %scan3A_223 = arith.constant 0 : i32
    %scan3A_224 = arith.constant 0 : i32
    %scan3A_225 = arith.constant 19 : i32
    %scan3A_226 = arith.addi %scan3A_224, %scan3A_225 : i32
    %scan3A_227 = arith.constant 1 : i32
    %scan3A_228 = scf.for %scan3A_350 = %scan3A_224 to %scan3A_226 step %scan3A_227 iter_args(%scan3A_351 = %scan3A_223) -> (i32)  : i32 {
      %mul3A_352 = arith.constant 2 : i32
      %mul3A_353 = arith.muli %mul3A_352, %scan3A_350 : i32
      %add3A_354 = arith.constant 0 : i32
      %add3A_355 = arith.addi %mul3A_353, %add3A_354 : i32
      %dma_wait3A_356 = arith.constant 0 : i32
      %dma_wait3A_357 = arith.constant 0 : i32
      %dma_wait3A_358 = arith.constant 0 : i32
      %dma_wait3A_359 = arith.constant 0 : i32
      %dma_wait3A_360 = tpu.memref_slice %arg9[%dma_wait3A_356, %dma_wait3A_357, %dma_wait3A_358, %dma_wait3A_359] : memref<2x1x128x128xf32, #tpu.memory_space<vmem>> -> memref<1x1x128x128xf32, #tpu.memory_space<vmem>>
      %dma_wait3A_361 = tpu.memref_squeeze %dma_wait3A_360 : memref<1x1x128x128xf32, #tpu.memory_space<vmem>> -> memref<128x128xf32, #tpu.memory_space<vmem>>
      %dma_wait3A_362 = arith.constant 0 : i32
      %dma_wait3A_363 = arith.constant 0 : i32
      %dma_wait3A_364 = tpu.memref_slice %arg2[%dma_wait3A_362, %dma_wait3A_363] : memref<10000x128xf32, #tpu.memory_space<hbm>> -> memref<128x128xf32, #tpu.memory_space<hbm>>
      %dma_wait3A_365 = arith.constant 0 : i32
      %dma_wait3A_366 = arith.constant 0 : i32
      %dma_wait3A_367 = tpu.memref_slice %arg9[%dma_wait3A_356, %dma_wait3A_357, %dma_wait3A_365, %dma_wait3A_366] : memref<2x1x128x128xf32, #tpu.memory_space<vmem>> -> memref<1x1x128x128xf32, #tpu.memory_space<vmem>>
      %dma_wait3A_368 = tpu.memref_squeeze %dma_wait3A_367 : memref<1x1x128x128xf32, #tpu.memory_space<vmem>> -> memref<128x128xf32, #tpu.memory_space<vmem>>
      %dma_wait3A_369 = arith.constant 0 : i32
      %dma_wait3A_370 = arith.constant 0 : i32
      %dma_wait3A_371 = tpu.memref_slice %arg2[%dma_wait3A_369, %dma_wait3A_370] : memref<10000x128xf32, #tpu.memory_space<hbm>> -> memref<128x128xf32, #tpu.memory_space<hbm>>
      tpu.wait_dma2 semaphore(%arg14 : memref<!tpu.dma_semaphore, #tpu.memory_space<semaphore_mem>>) src(%dma_wait3A_371 : memref<128x128xf32, #tpu.memory_space<hbm>>) dst(%dma_wait3A_368 : memref<128x128xf32, #tpu.memory_space<vmem>>)
      %mul3A_372 = arith.constant 1 : i32
      %mul3A_373 = arith.muli %add3A_355, %mul3A_372 : i32
      %add3A_374 = arith.constant 0 : i32
      %add3A_375 = arith.addi %mul3A_373, %add3A_374 : i32
      %dma_start3A_376 = arith.constant 0 : i32
      %dma_start3A_377 = arith.constant 0 : i32
      %dma_start3A_378 = arith.constant 0 : i32
      %dma_start3A_379 = arith.constant 0 : i32
      %dma_start3A_380 = tpu.memref_slice %arg9[%dma_start3A_376, %dma_start3A_377, %dma_start3A_378, %dma_start3A_379] : memref<2x1x128x128xf32, #tpu.memory_space<vmem>> -> memref<1x1x128x128xf32, #tpu.memory_space<vmem>>
      %dma_start3A_381 = tpu.memref_squeeze %dma_start3A_380 : memref<1x1x128x128xf32, #tpu.memory_space<vmem>> -> memref<128x128xf32, #tpu.memory_space<vmem>>
      %dma_start3A_382 = arith.constant 0 : i32
      %dma_start3A_383 = tpu.memref_slice %arg11[%add3A_375, %dma_start3A_382] : memref<40x128xi32, #tpu.memory_space<vmem>> -> memref<1x128xi32, #tpu.memory_space<vmem>>
      %dma_start3A_384 = tpu.memref_squeeze %dma_start3A_383 : memref<1x128xi32, #tpu.memory_space<vmem>> -> memref<128xi32, #tpu.memory_space<vmem>>
      %dma_start3A_385 = arith.constant 0 : i32
      %dma_start3A_386 = arith.constant 0 : i32
      %dma_start3A_387 = tpu.memref_slice %arg7[%dma_start3A_385, %dma_start3A_386] : memref<10240x128xf32, #tpu.memory_space<vmem_shared>> -> memref<10240x128xf32, #tpu.memory_space<vmem_shared>>
      tpu.enqueue_indirect_dma source(%dma_start3A_381 : memref<128x128xf32, #tpu.memory_space<vmem>>) target(%dma_start3A_387 : memref<10240x128xf32, #tpu.memory_space<vmem_shared>>) offsets(%dma_start3A_384 : memref<128xi32, #tpu.memory_space<vmem>>) semaphore(%arg16 : memref<!tpu.dma_semaphore, #tpu.memory_space<semaphore_mem>>) {add = true}
      %dma_start3A_388 = arith.constant 0 : i32
      %dma_start3A_389 = tpu.memref_slice %arg11[%add3A_375, %dma_start3A_388] : memref<40x128xi32, #tpu.memory_space<vmem>> -> memref<1x128xi32, #tpu.memory_space<vmem>>
      %dma_start3A_390 = tpu.memref_squeeze %dma_start3A_389 : memref<1x128xi32, #tpu.memory_space<vmem>> -> memref<128xi32, #tpu.memory_space<vmem>>
      %dma_start3A_391 = arith.constant 0 : i32
      %dma_start3A_392 = tpu.memref_slice %arg8[%dma_start3A_391] : memref<10240xf32, #tpu.memory_space<vmem_shared>> -> memref<10240xf32, #tpu.memory_space<vmem_shared>>
      tpu.enqueue_indirect_dma source(%arg12 : memref<128xf32, #tpu.memory_space<vmem>>) target(%dma_start3A_392 : memref<10240xf32, #tpu.memory_space<vmem_shared>>) offsets(%dma_start3A_390 : memref<128xi32, #tpu.memory_space<vmem>>) semaphore(%arg18 : memref<!tpu.dma_semaphore, #tpu.memory_space<semaphore_mem>>) {add = true}
      %dma_wait3A_393 = arith.constant 0 : i32
      %dma_wait3A_394 = arith.constant 0 : i32
      %dma_wait3A_395 = arith.constant 0 : i32
      %dma_wait3A_396 = arith.constant 0 : i32
      %dma_wait3A_397 = tpu.memref_slice %arg9[%dma_wait3A_393, %dma_wait3A_394, %dma_wait3A_395, %dma_wait3A_396] : memref<2x1x128x128xf32, #tpu.memory_space<vmem>> -> memref<1x1x128x128xf32, #tpu.memory_space<vmem>>
      %dma_wait3A_398 = tpu.memref_squeeze %dma_wait3A_397 : memref<1x1x128x128xf32, #tpu.memory_space<vmem>> -> memref<128x128xf32, #tpu.memory_space<vmem>>
      %dma_wait3A_399 = arith.constant 0 : i32
      %dma_wait3A_400 = tpu.memref_slice %arg11[%add3A_375, %dma_wait3A_399] : memref<40x128xi32, #tpu.memory_space<vmem>> -> memref<1x128xi32, #tpu.memory_space<vmem>>
      %dma_wait3A_401 = tpu.memref_squeeze %dma_wait3A_400 : memref<1x128xi32, #tpu.memory_space<vmem>> -> memref<128xi32, #tpu.memory_space<vmem>>
      %dma_wait3A_402 = arith.constant 0 : i32
      %dma_wait3A_403 = arith.constant 0 : i32
      %dma_wait3A_404 = tpu.memref_slice %arg7[%dma_wait3A_402, %dma_wait3A_403] : memref<10240x128xf32, #tpu.memory_space<vmem_shared>> -> memref<10240x128xf32, #tpu.memory_space<vmem_shared>>
      tpu.wait_indirect_dma semaphore(%arg16 : memref<!tpu.dma_semaphore, #tpu.memory_space<semaphore_mem>>) src(%dma_wait3A_398 : memref<128x128xf32, #tpu.memory_space<vmem>>) dst(%dma_wait3A_404 : memref<10240x128xf32, #tpu.memory_space<vmem_shared>>)
      %add3A_405 = arith.constant 2 : i32
      %add3A_406 = arith.addi %add3A_355, %add3A_405 : i32
      %mul3A_407 = arith.constant 1 : i32
      %mul3A_408 = arith.muli %add3A_406, %mul3A_407 : i32
      %add3A_409 = arith.constant 0 : i32
      %add3A_410 = arith.addi %mul3A_408, %add3A_409 : i32
      %mul3A_411 = arith.constant 128 : i32
      %mul3A_412 = arith.muli %add3A_410, %mul3A_411 : i32
      %dma_start3A_413 = arith.constant 0 : i32
      %dma_start3A_414 = arith.constant 0 : i32
      %dma_start3A_415 = arith.constant 0 : i32
      %dma_start3A_416 = arith.constant 0 : i32
      %dma_start3A_417 = tpu.memref_slice %arg9[%dma_start3A_413, %dma_start3A_414, %dma_start3A_415, %dma_start3A_416] : memref<2x1x128x128xf32, #tpu.memory_space<vmem>> -> memref<1x1x128x128xf32, #tpu.memory_space<vmem>>
      %dma_start3A_418 = tpu.memref_squeeze %dma_start3A_417 : memref<1x1x128x128xf32, #tpu.memory_space<vmem>> -> memref<128x128xf32, #tpu.memory_space<vmem>>
      %dma_start3A_419 = tpu.memref_slice %arg10[%mul3A_412] : memref<5120xi32, #tpu.memory_space<vmem>> -> memref<128xi32, #tpu.memory_space<vmem>>
      %dma_start3A_420 = arith.constant 0 : i32
      %dma_start3A_421 = arith.constant 0 : i32
      %dma_start3A_422 = tpu.memref_slice %arg2[%dma_start3A_420, %dma_start3A_421] : memref<10000x128xf32, #tpu.memory_space<hbm>> -> memref<10000x128xf32, #tpu.memory_space<hbm>>
      tpu.enqueue_indirect_dma source(%dma_start3A_422 : memref<10000x128xf32, #tpu.memory_space<hbm>>) target(%dma_start3A_418 : memref<128x128xf32, #tpu.memory_space<vmem>>) offsets(%dma_start3A_419 : memref<128xi32, #tpu.memory_space<vmem>>) semaphore(%arg14 : memref<!tpu.dma_semaphore, #tpu.memory_space<semaphore_mem>>)
      %dma_wait3A_423 = arith.constant 0 : i32
      %dma_wait3A_424 = tpu.memref_slice %arg11[%add3A_375, %dma_wait3A_423] : memref<40x128xi32, #tpu.memory_space<vmem>> -> memref<1x128xi32, #tpu.memory_space<vmem>>
      %dma_wait3A_425 = tpu.memref_squeeze %dma_wait3A_424 : memref<1x128xi32, #tpu.memory_space<vmem>> -> memref<128xi32, #tpu.memory_space<vmem>>
      %dma_wait3A_426 = arith.constant 0 : i32
      %dma_wait3A_427 = tpu.memref_slice %arg8[%dma_wait3A_426] : memref<10240xf32, #tpu.memory_space<vmem_shared>> -> memref<10240xf32, #tpu.memory_space<vmem_shared>>
      tpu.wait_indirect_dma semaphore(%arg18 : memref<!tpu.dma_semaphore, #tpu.memory_space<semaphore_mem>>) src(%arg12 : memref<128xf32, #tpu.memory_space<vmem>>) dst(%dma_wait3A_427 : memref<10240xf32, #tpu.memory_space<vmem_shared>>)
      %mul3A_428 = arith.constant 2 : i32
      %mul3A_429 = arith.muli %mul3A_428, %scan3A_350 : i32
      %add3A_430 = arith.constant 1 : i32
      %add3A_431 = arith.addi %mul3A_429, %add3A_430 : i32
      %dma_wait3A_432 = arith.constant 1 : i32
      %dma_wait3A_433 = arith.constant 0 : i32
      %dma_wait3A_434 = arith.constant 0 : i32
      %dma_wait3A_435 = arith.constant 0 : i32
      %dma_wait3A_436 = tpu.memref_slice %arg9[%dma_wait3A_432, %dma_wait3A_433, %dma_wait3A_434, %dma_wait3A_435] : memref<2x1x128x128xf32, #tpu.memory_space<vmem>> -> memref<1x1x128x128xf32, #tpu.memory_space<vmem>>
      %dma_wait3A_437 = tpu.memref_squeeze %dma_wait3A_436 : memref<1x1x128x128xf32, #tpu.memory_space<vmem>> -> memref<128x128xf32, #tpu.memory_space<vmem>>
      %dma_wait3A_438 = arith.constant 0 : i32
      %dma_wait3A_439 = arith.constant 0 : i32
      %dma_wait3A_440 = tpu.memref_slice %arg2[%dma_wait3A_438, %dma_wait3A_439] : memref<10000x128xf32, #tpu.memory_space<hbm>> -> memref<128x128xf32, #tpu.memory_space<hbm>>
      %dma_wait3A_441 = arith.constant 0 : i32
      %dma_wait3A_442 = arith.constant 0 : i32
      %dma_wait3A_443 = tpu.memref_slice %arg9[%dma_wait3A_432, %dma_wait3A_433, %dma_wait3A_441, %dma_wait3A_442] : memref<2x1x128x128xf32, #tpu.memory_space<vmem>> -> memref<1x1x128x128xf32, #tpu.memory_space<vmem>>
      %dma_wait3A_444 = tpu.memref_squeeze %dma_wait3A_443 : memref<1x1x128x128xf32, #tpu.memory_space<vmem>> -> memref<128x128xf32, #tpu.memory_space<vmem>>
      %dma_wait3A_445 = arith.constant 0 : i32
      %dma_wait3A_446 = arith.constant 0 : i32
      %dma_wait3A_447 = tpu.memref_slice %arg2[%dma_wait3A_445, %dma_wait3A_446] : memref<10000x128xf32, #tpu.memory_space<hbm>> -> memref<128x128xf32, #tpu.memory_space<hbm>>
      tpu.wait_dma2 semaphore(%arg15 : memref<!tpu.dma_semaphore, #tpu.memory_space<semaphore_mem>>) src(%dma_wait3A_447 : memref<128x128xf32, #tpu.memory_space<hbm>>) dst(%dma_wait3A_444 : memref<128x128xf32, #tpu.memory_space<vmem>>)
      %mul3A_448 = arith.constant 1 : i32
      %mul3A_449 = arith.muli %add3A_431, %mul3A_448 : i32
      %add3A_450 = arith.constant 0 : i32
      %add3A_451 = arith.addi %mul3A_449, %add3A_450 : i32
      %dma_start3A_452 = arith.constant 1 : i32
      %dma_start3A_453 = arith.constant 0 : i32
      %dma_start3A_454 = arith.constant 0 : i32
      %dma_start3A_455 = arith.constant 0 : i32
      %dma_start3A_456 = tpu.memref_slice %arg9[%dma_start3A_452, %dma_start3A_453, %dma_start3A_454, %dma_start3A_455] : memref<2x1x128x128xf32, #tpu.memory_space<vmem>> -> memref<1x1x128x128xf32, #tpu.memory_space<vmem>>
      %dma_start3A_457 = tpu.memref_squeeze %dma_start3A_456 : memref<1x1x128x128xf32, #tpu.memory_space<vmem>> -> memref<128x128xf32, #tpu.memory_space<vmem>>
      %dma_start3A_458 = arith.constant 0 : i32
      %dma_start3A_459 = tpu.memref_slice %arg11[%add3A_451, %dma_start3A_458] : memref<40x128xi32, #tpu.memory_space<vmem>> -> memref<1x128xi32, #tpu.memory_space<vmem>>
      %dma_start3A_460 = tpu.memref_squeeze %dma_start3A_459 : memref<1x128xi32, #tpu.memory_space<vmem>> -> memref<128xi32, #tpu.memory_space<vmem>>
      %dma_start3A_461 = arith.constant 0 : i32
      %dma_start3A_462 = arith.constant 0 : i32
      %dma_start3A_463 = tpu.memref_slice %arg7[%dma_start3A_461, %dma_start3A_462] : memref<10240x128xf32, #tpu.memory_space<vmem_shared>> -> memref<10240x128xf32, #tpu.memory_space<vmem_shared>>
      tpu.enqueue_indirect_dma source(%dma_start3A_457 : memref<128x128xf32, #tpu.memory_space<vmem>>) target(%dma_start3A_463 : memref<10240x128xf32, #tpu.memory_space<vmem_shared>>) offsets(%dma_start3A_460 : memref<128xi32, #tpu.memory_space<vmem>>) semaphore(%arg17 : memref<!tpu.dma_semaphore, #tpu.memory_space<semaphore_mem>>) {add = true}
      %dma_start3A_464 = arith.constant 0 : i32
      %dma_start3A_465 = tpu.memref_slice %arg11[%add3A_451, %dma_start3A_464] : memref<40x128xi32, #tpu.memory_space<vmem>> -> memref<1x128xi32, #tpu.memory_space<vmem>>
      %dma_start3A_466 = tpu.memref_squeeze %dma_start3A_465 : memref<1x128xi32, #tpu.memory_space<vmem>> -> memref<128xi32, #tpu.memory_space<vmem>>
      %dma_start3A_467 = arith.constant 0 : i32
      %dma_start3A_468 = tpu.memref_slice %arg8[%dma_start3A_467] : memref<10240xf32, #tpu.memory_space<vmem_shared>> -> memref<10240xf32, #tpu.memory_space<vmem_shared>>
      tpu.enqueue_indirect_dma source(%arg12 : memref<128xf32, #tpu.memory_space<vmem>>) target(%dma_start3A_468 : memref<10240xf32, #tpu.memory_space<vmem_shared>>) offsets(%dma_start3A_466 : memref<128xi32, #tpu.memory_space<vmem>>) semaphore(%arg19 : memref<!tpu.dma_semaphore, #tpu.memory_space<semaphore_mem>>) {add = true}
      %dma_wait3A_469 = arith.constant 1 : i32
      %dma_wait3A_470 = arith.constant 0 : i32
      %dma_wait3A_471 = arith.constant 0 : i32
      %dma_wait3A_472 = arith.constant 0 : i32
      %dma_wait3A_473 = tpu.memref_slice %arg9[%dma_wait3A_469, %dma_wait3A_470, %dma_wait3A_471, %dma_wait3A_472] : memref<2x1x128x128xf32, #tpu.memory_space<vmem>> -> memref<1x1x128x128xf32, #tpu.memory_space<vmem>>
      %dma_wait3A_474 = tpu.memref_squeeze %dma_wait3A_473 : memref<1x1x128x128xf32, #tpu.memory_space<vmem>> -> memref<128x128xf32, #tpu.memory_space<vmem>>
      %dma_wait3A_475 = arith.constant 0 : i32
      %dma_wait3A_476 = tpu.memref_slice %arg11[%add3A_451, %dma_wait3A_475] : memref<40x128xi32, #tpu.memory_space<vmem>> -> memref<1x128xi32, #tpu.memory_space<vmem>>
      %dma_wait3A_477 = tpu.memref_squeeze %dma_wait3A_476 : memref<1x128xi32, #tpu.memory_space<vmem>> -> memref<128xi32, #tpu.memory_space<vmem>>
      %dma_wait3A_478 = arith.constant 0 : i32
      %dma_wait3A_479 = arith.constant 0 : i32
      %dma_wait3A_480 = tpu.memref_slice %arg7[%dma_wait3A_478, %dma_wait3A_479] : memref<10240x128xf32, #tpu.memory_space<vmem_shared>> -> memref<10240x128xf32, #tpu.memory_space<vmem_shared>>
      tpu.wait_indirect_dma semaphore(%arg17 : memref<!tpu.dma_semaphore, #tpu.memory_space<semaphore_mem>>) src(%dma_wait3A_474 : memref<128x128xf32, #tpu.memory_space<vmem>>) dst(%dma_wait3A_480 : memref<10240x128xf32, #tpu.memory_space<vmem_shared>>)
      %add3A_481 = arith.constant 2 : i32
      %add3A_482 = arith.addi %add3A_431, %add3A_481 : i32
      %mul3A_483 = arith.constant 1 : i32
      %mul3A_484 = arith.muli %add3A_482, %mul3A_483 : i32
      %add3A_485 = arith.constant 0 : i32
      %add3A_486 = arith.addi %mul3A_484, %add3A_485 : i32
      %mul3A_487 = arith.constant 128 : i32
      %mul3A_488 = arith.muli %add3A_486, %mul3A_487 : i32
      %dma_start3A_489 = arith.constant 1 : i32
      %dma_start3A_490 = arith.constant 0 : i32
      %dma_start3A_491 = arith.constant 0 : i32
      %dma_start3A_492 = arith.constant 0 : i32
      %dma_start3A_493 = tpu.memref_slice %arg9[%dma_start3A_489, %dma_start3A_490, %dma_start3A_491, %dma_start3A_492] : memref<2x1x128x128xf32, #tpu.memory_space<vmem>> -> memref<1x1x128x128xf32, #tpu.memory_space<vmem>>
      %dma_start3A_494 = tpu.memref_squeeze %dma_start3A_493 : memref<1x1x128x128xf32, #tpu.memory_space<vmem>> -> memref<128x128xf32, #tpu.memory_space<vmem>>
      %dma_start3A_495 = tpu.memref_slice %arg10[%mul3A_488] : memref<5120xi32, #tpu.memory_space<vmem>> -> memref<128xi32, #tpu.memory_space<vmem>>
      %dma_start3A_496 = arith.constant 0 : i32
      %dma_start3A_497 = arith.constant 0 : i32
      %dma_start3A_498 = tpu.memref_slice %arg2[%dma_start3A_496, %dma_start3A_497] : memref<10000x128xf32, #tpu.memory_space<hbm>> -> memref<10000x128xf32, #tpu.memory_space<hbm>>
      tpu.enqueue_indirect_dma source(%dma_start3A_498 : memref<10000x128xf32, #tpu.memory_space<hbm>>) target(%dma_start3A_494 : memref<128x128xf32, #tpu.memory_space<vmem>>) offsets(%dma_start3A_495 : memref<128xi32, #tpu.memory_space<vmem>>) semaphore(%arg15 : memref<!tpu.dma_semaphore, #tpu.memory_space<semaphore_mem>>)
      %dma_wait3A_499 = arith.constant 0 : i32
      %dma_wait3A_500 = tpu.memref_slice %arg11[%add3A_451, %dma_wait3A_499] : memref<40x128xi32, #tpu.memory_space<vmem>> -> memref<1x128xi32, #tpu.memory_space<vmem>>
      %dma_wait3A_501 = tpu.memref_squeeze %dma_wait3A_500 : memref<1x128xi32, #tpu.memory_space<vmem>> -> memref<128xi32, #tpu.memory_space<vmem>>
      %dma_wait3A_502 = arith.constant 0 : i32
      %dma_wait3A_503 = tpu.memref_slice %arg8[%dma_wait3A_502] : memref<10240xf32, #tpu.memory_space<vmem_shared>> -> memref<10240xf32, #tpu.memory_space<vmem_shared>>
      tpu.wait_indirect_dma semaphore(%arg19 : memref<!tpu.dma_semaphore, #tpu.memory_space<semaphore_mem>>) src(%arg12 : memref<128xf32, #tpu.memory_space<vmem>>) dst(%dma_wait3A_503 : memref<10240xf32, #tpu.memory_space<vmem_shared>>)
      %scan3A_504 = arith.constant 0 : i32
      scf.yield %scan3A_504 : i32
    }
    %scan3A_229 = arith.constant 19 : i32
    %dma_wait3A_230 = arith.constant 0 : i32
    %dma_wait3A_231 = arith.constant 0 : i32
    %dma_wait3A_232 = arith.constant 0 : i32
    %dma_wait3A_233 = arith.constant 0 : i32
    %dma_wait3A_234 = tpu.memref_slice %arg9[%dma_wait3A_230, %dma_wait3A_231, %dma_wait3A_232, %dma_wait3A_233] : memref<2x1x128x128xf32, #tpu.memory_space<vmem>> -> memref<1x1x128x128xf32, #tpu.memory_space<vmem>>
    %dma_wait3A_235 = tpu.memref_squeeze %dma_wait3A_234 : memref<1x1x128x128xf32, #tpu.memory_space<vmem>> -> memref<128x128xf32, #tpu.memory_space<vmem>>
    %dma_wait3A_236 = arith.constant 0 : i32
    %dma_wait3A_237 = arith.constant 0 : i32
    %dma_wait3A_238 = tpu.memref_slice %arg2[%dma_wait3A_236, %dma_wait3A_237] : memref<10000x128xf32, #tpu.memory_space<hbm>> -> memref<128x128xf32, #tpu.memory_space<hbm>>
    %dma_wait3A_239 = arith.constant 0 : i32
    %dma_wait3A_240 = arith.constant 0 : i32
    %dma_wait3A_241 = tpu.memref_slice %arg9[%dma_wait3A_230, %dma_wait3A_231, %dma_wait3A_239, %dma_wait3A_240] : memref<2x1x128x128xf32, #tpu.memory_space<vmem>> -> memref<1x1x128x128xf32, #tpu.memory_space<vmem>>
    %dma_wait3A_242 = tpu.memref_squeeze %dma_wait3A_241 : memref<1x1x128x128xf32, #tpu.memory_space<vmem>> -> memref<128x128xf32, #tpu.memory_space<vmem>>
    %dma_wait3A_243 = arith.constant 0 : i32
    %dma_wait3A_244 = arith.constant 0 : i32
    %dma_wait3A_245 = tpu.memref_slice %arg2[%dma_wait3A_243, %dma_wait3A_244] : memref<10000x128xf32, #tpu.memory_space<hbm>> -> memref<128x128xf32, #tpu.memory_space<hbm>>
    tpu.wait_dma2 semaphore(%arg14 : memref<!tpu.dma_semaphore, #tpu.memory_space<semaphore_mem>>) src(%dma_wait3A_245 : memref<128x128xf32, #tpu.memory_space<hbm>>) dst(%dma_wait3A_242 : memref<128x128xf32, #tpu.memory_space<vmem>>)
    %dma_start3A_246 = arith.constant 0 : i32
    %dma_start3A_247 = arith.constant 0 : i32
    %dma_start3A_248 = arith.constant 38 : i32
    %dma_start3A_249 = arith.constant 0 : i32
    %dma_start3A_250 = arith.constant 0 : i32
    %dma_start3A_251 = tpu.memref_slice %arg9[%dma_start3A_246, %dma_start3A_247, %dma_start3A_249, %dma_start3A_250] : memref<2x1x128x128xf32, #tpu.memory_space<vmem>> -> memref<1x1x128x128xf32, #tpu.memory_space<vmem>>
    %dma_start3A_252 = tpu.memref_squeeze %dma_start3A_251 : memref<1x1x128x128xf32, #tpu.memory_space<vmem>> -> memref<128x128xf32, #tpu.memory_space<vmem>>
    %dma_start3A_253 = arith.constant 0 : i32
    %dma_start3A_254 = tpu.memref_slice %arg11[%dma_start3A_248, %dma_start3A_253] : memref<40x128xi32, #tpu.memory_space<vmem>> -> memref<1x128xi32, #tpu.memory_space<vmem>>
    %dma_start3A_255 = tpu.memref_squeeze %dma_start3A_254 : memref<1x128xi32, #tpu.memory_space<vmem>> -> memref<128xi32, #tpu.memory_space<vmem>>
    %dma_start3A_256 = arith.constant 0 : i32
    %dma_start3A_257 = arith.constant 0 : i32
    %dma_start3A_258 = tpu.memref_slice %arg7[%dma_start3A_256, %dma_start3A_257] : memref<10240x128xf32, #tpu.memory_space<vmem_shared>> -> memref<10240x128xf32, #tpu.memory_space<vmem_shared>>
    tpu.enqueue_indirect_dma source(%dma_start3A_252 : memref<128x128xf32, #tpu.memory_space<vmem>>) target(%dma_start3A_258 : memref<10240x128xf32, #tpu.memory_space<vmem_shared>>) offsets(%dma_start3A_255 : memref<128xi32, #tpu.memory_space<vmem>>) semaphore(%arg16 : memref<!tpu.dma_semaphore, #tpu.memory_space<semaphore_mem>>) {add = true}
    %dma_start3A_259 = arith.constant 38 : i32
    %dma_start3A_260 = arith.constant 0 : i32
    %dma_start3A_261 = tpu.memref_slice %arg11[%dma_start3A_259, %dma_start3A_260] : memref<40x128xi32, #tpu.memory_space<vmem>> -> memref<1x128xi32, #tpu.memory_space<vmem>>
    %dma_start3A_262 = tpu.memref_squeeze %dma_start3A_261 : memref<1x128xi32, #tpu.memory_space<vmem>> -> memref<128xi32, #tpu.memory_space<vmem>>
    %dma_start3A_263 = arith.constant 0 : i32
    %dma_start3A_264 = tpu.memref_slice %arg8[%dma_start3A_263] : memref<10240xf32, #tpu.memory_space<vmem_shared>> -> memref<10240xf32, #tpu.memory_space<vmem_shared>>
    tpu.enqueue_indirect_dma source(%arg12 : memref<128xf32, #tpu.memory_space<vmem>>) target(%dma_start3A_264 : memref<10240xf32, #tpu.memory_space<vmem_shared>>) offsets(%dma_start3A_262 : memref<128xi32, #tpu.memory_space<vmem>>) semaphore(%arg18 : memref<!tpu.dma_semaphore, #tpu.memory_space<semaphore_mem>>) {add = true}
    %dma_wait3A_265 = arith.constant 0 : i32
    %dma_wait3A_266 = arith.constant 0 : i32
    %dma_wait3A_267 = arith.constant 38 : i32
    %dma_wait3A_268 = arith.constant 0 : i32
    %dma_wait3A_269 = arith.constant 0 : i32
    %dma_wait3A_270 = tpu.memref_slice %arg9[%dma_wait3A_265, %dma_wait3A_266, %dma_wait3A_268, %dma_wait3A_269] : memref<2x1x128x128xf32, #tpu.memory_space<vmem>> -> memref<1x1x128x128xf32, #tpu.memory_space<vmem>>
    %dma_wait3A_271 = tpu.memref_squeeze %dma_wait3A_270 : memref<1x1x128x128xf32, #tpu.memory_space<vmem>> -> memref<128x128xf32, #tpu.memory_space<vmem>>
    %dma_wait3A_272 = arith.constant 0 : i32
    %dma_wait3A_273 = tpu.memref_slice %arg11[%dma_wait3A_267, %dma_wait3A_272] : memref<40x128xi32, #tpu.memory_space<vmem>> -> memref<1x128xi32, #tpu.memory_space<vmem>>
    %dma_wait3A_274 = tpu.memref_squeeze %dma_wait3A_273 : memref<1x128xi32, #tpu.memory_space<vmem>> -> memref<128xi32, #tpu.memory_space<vmem>>
    %dma_wait3A_275 = arith.constant 0 : i32
    %dma_wait3A_276 = arith.constant 0 : i32
    %dma_wait3A_277 = tpu.memref_slice %arg7[%dma_wait3A_275, %dma_wait3A_276] : memref<10240x128xf32, #tpu.memory_space<vmem_shared>> -> memref<10240x128xf32, #tpu.memory_space<vmem_shared>>
    tpu.wait_indirect_dma semaphore(%arg16 : memref<!tpu.dma_semaphore, #tpu.memory_space<semaphore_mem>>) src(%dma_wait3A_271 : memref<128x128xf32, #tpu.memory_space<vmem>>) dst(%dma_wait3A_277 : memref<10240x128xf32, #tpu.memory_space<vmem_shared>>)
    %dma_wait3A_278 = arith.constant 38 : i32
    %dma_wait3A_279 = arith.constant 0 : i32
    %dma_wait3A_280 = tpu.memref_slice %arg11[%dma_wait3A_278, %dma_wait3A_279] : memref<40x128xi32, #tpu.memory_space<vmem>> -> memref<1x128xi32, #tpu.memory_space<vmem>>
    %dma_wait3A_281 = tpu.memref_squeeze %dma_wait3A_280 : memref<1x128xi32, #tpu.memory_space<vmem>> -> memref<128xi32, #tpu.memory_space<vmem>>
    %dma_wait3A_282 = arith.constant 0 : i32
    %dma_wait3A_283 = tpu.memref_slice %arg8[%dma_wait3A_282] : memref<10240xf32, #tpu.memory_space<vmem_shared>> -> memref<10240xf32, #tpu.memory_space<vmem_shared>>
    tpu.wait_indirect_dma semaphore(%arg18 : memref<!tpu.dma_semaphore, #tpu.memory_space<semaphore_mem>>) src(%arg12 : memref<128xf32, #tpu.memory_space<vmem>>) dst(%dma_wait3A_283 : memref<10240xf32, #tpu.memory_space<vmem_shared>>)
    %dma_wait3A_284 = arith.constant 1 : i32
    %dma_wait3A_285 = arith.constant 0 : i32
    %dma_wait3A_286 = arith.constant 0 : i32
    %dma_wait3A_287 = arith.constant 0 : i32
    %dma_wait3A_288 = tpu.memref_slice %arg9[%dma_wait3A_284, %dma_wait3A_285, %dma_wait3A_286, %dma_wait3A_287] : memref<2x1x128x128xf32, #tpu.memory_space<vmem>> -> memref<1x1x128x128xf32, #tpu.memory_space<vmem>>
    %dma_wait3A_289 = tpu.memref_squeeze %dma_wait3A_288 : memref<1x1x128x128xf32, #tpu.memory_space<vmem>> -> memref<128x128xf32, #tpu.memory_space<vmem>>
    %dma_wait3A_290 = arith.constant 0 : i32
    %dma_wait3A_291 = arith.constant 0 : i32
    %dma_wait3A_292 = tpu.memref_slice %arg2[%dma_wait3A_290, %dma_wait3A_291] : memref<10000x128xf32, #tpu.memory_space<hbm>> -> memref<128x128xf32, #tpu.memory_space<hbm>>
    %dma_wait3A_293 = arith.constant 0 : i32
    %dma_wait3A_294 = arith.constant 0 : i32
    %dma_wait3A_295 = tpu.memref_slice %arg9[%dma_wait3A_284, %dma_wait3A_285, %dma_wait3A_293, %dma_wait3A_294] : memref<2x1x128x128xf32, #tpu.memory_space<vmem>> -> memref<1x1x128x128xf32, #tpu.memory_space<vmem>>
    %dma_wait3A_296 = tpu.memref_squeeze %dma_wait3A_295 : memref<1x1x128x128xf32, #tpu.memory_space<vmem>> -> memref<128x128xf32, #tpu.memory_space<vmem>>
    %dma_wait3A_297 = arith.constant 0 : i32
    %dma_wait3A_298 = arith.constant 0 : i32
    %dma_wait3A_299 = tpu.memref_slice %arg2[%dma_wait3A_297, %dma_wait3A_298] : memref<10000x128xf32, #tpu.memory_space<hbm>> -> memref<128x128xf32, #tpu.memory_space<hbm>>
    tpu.wait_dma2 semaphore(%arg15 : memref<!tpu.dma_semaphore, #tpu.memory_space<semaphore_mem>>) src(%dma_wait3A_299 : memref<128x128xf32, #tpu.memory_space<hbm>>) dst(%dma_wait3A_296 : memref<128x128xf32, #tpu.memory_space<vmem>>)
    %dma_start3A_300 = arith.constant 1 : i32
    %dma_start3A_301 = arith.constant 0 : i32
    %dma_start3A_302 = arith.constant 39 : i32
    %dma_start3A_303 = arith.constant 0 : i32
    %dma_start3A_304 = arith.constant 0 : i32
    %dma_start3A_305 = tpu.memref_slice %arg9[%dma_start3A_300, %dma_start3A_301, %dma_start3A_303, %dma_start3A_304] : memref<2x1x128x128xf32, #tpu.memory_space<vmem>> -> memref<1x1x128x128xf32, #tpu.memory_space<vmem>>
    %dma_start3A_306 = tpu.memref_squeeze %dma_start3A_305 : memref<1x1x128x128xf32, #tpu.memory_space<vmem>> -> memref<128x128xf32, #tpu.memory_space<vmem>>
    %dma_start3A_307 = arith.constant 0 : i32
    %dma_start3A_308 = tpu.memref_slice %arg11[%dma_start3A_302, %dma_start3A_307] : memref<40x128xi32, #tpu.memory_space<vmem>> -> memref<1x128xi32, #tpu.memory_space<vmem>>
    %dma_start3A_309 = tpu.memref_squeeze %dma_start3A_308 : memref<1x128xi32, #tpu.memory_space<vmem>> -> memref<128xi32, #tpu.memory_space<vmem>>
    %dma_start3A_310 = arith.constant 0 : i32
    %dma_start3A_311 = arith.constant 0 : i32
    %dma_start3A_312 = tpu.memref_slice %arg7[%dma_start3A_310, %dma_start3A_311] : memref<10240x128xf32, #tpu.memory_space<vmem_shared>> -> memref<10240x128xf32, #tpu.memory_space<vmem_shared>>
    tpu.enqueue_indirect_dma source(%dma_start3A_306 : memref<128x128xf32, #tpu.memory_space<vmem>>) target(%dma_start3A_312 : memref<10240x128xf32, #tpu.memory_space<vmem_shared>>) offsets(%dma_start3A_309 : memref<128xi32, #tpu.memory_space<vmem>>) semaphore(%arg17 : memref<!tpu.dma_semaphore, #tpu.memory_space<semaphore_mem>>) {add = true}
    %dma_start3A_313 = arith.constant 39 : i32
    %dma_start3A_314 = arith.constant 0 : i32
    %dma_start3A_315 = tpu.memref_slice %arg11[%dma_start3A_313, %dma_start3A_314] : memref<40x128xi32, #tpu.memory_space<vmem>> -> memref<1x128xi32, #tpu.memory_space<vmem>>
    %dma_start3A_316 = tpu.memref_squeeze %dma_start3A_315 : memref<1x128xi32, #tpu.memory_space<vmem>> -> memref<128xi32, #tpu.memory_space<vmem>>
    %dma_start3A_317 = arith.constant 0 : i32
    %dma_start3A_318 = tpu.memref_slice %arg8[%dma_start3A_317] : memref<10240xf32, #tpu.memory_space<vmem_shared>> -> memref<10240xf32, #tpu.memory_space<vmem_shared>>
    tpu.enqueue_indirect_dma source(%arg12 : memref<128xf32, #tpu.memory_space<vmem>>) target(%dma_start3A_318 : memref<10240xf32, #tpu.memory_space<vmem_shared>>) offsets(%dma_start3A_316 : memref<128xi32, #tpu.memory_space<vmem>>) semaphore(%arg19 : memref<!tpu.dma_semaphore, #tpu.memory_space<semaphore_mem>>) {add = true}
    %dma_wait3A_319 = arith.constant 1 : i32
    %dma_wait3A_320 = arith.constant 0 : i32
    %dma_wait3A_321 = arith.constant 39 : i32
    %dma_wait3A_322 = arith.constant 0 : i32
    %dma_wait3A_323 = arith.constant 0 : i32
    %dma_wait3A_324 = tpu.memref_slice %arg9[%dma_wait3A_319, %dma_wait3A_320, %dma_wait3A_322, %dma_wait3A_323] : memref<2x1x128x128xf32, #tpu.memory_space<vmem>> -> memref<1x1x128x128xf32, #tpu.memory_space<vmem>>
    %dma_wait3A_325 = tpu.memref_squeeze %dma_wait3A_324 : memref<1x1x128x128xf32, #tpu.memory_space<vmem>> -> memref<128x128xf32, #tpu.memory_space<vmem>>
    %dma_wait3A_326 = arith.constant 0 : i32
    %dma_wait3A_327 = tpu.memref_slice %arg11[%dma_wait3A_321, %dma_wait3A_326] : memref<40x128xi32, #tpu.memory_space<vmem>> -> memref<1x128xi32, #tpu.memory_space<vmem>>
    %dma_wait3A_328 = tpu.memref_squeeze %dma_wait3A_327 : memref<1x128xi32, #tpu.memory_space<vmem>> -> memref<128xi32, #tpu.memory_space<vmem>>
    %dma_wait3A_329 = arith.constant 0 : i32
    %dma_wait3A_330 = arith.constant 0 : i32
    %dma_wait3A_331 = tpu.memref_slice %arg7[%dma_wait3A_329, %dma_wait3A_330] : memref<10240x128xf32, #tpu.memory_space<vmem_shared>> -> memref<10240x128xf32, #tpu.memory_space<vmem_shared>>
    tpu.wait_indirect_dma semaphore(%arg17 : memref<!tpu.dma_semaphore, #tpu.memory_space<semaphore_mem>>) src(%dma_wait3A_325 : memref<128x128xf32, #tpu.memory_space<vmem>>) dst(%dma_wait3A_331 : memref<10240x128xf32, #tpu.memory_space<vmem_shared>>)
    %dma_wait3A_332 = arith.constant 39 : i32
    %dma_wait3A_333 = arith.constant 0 : i32
    %dma_wait3A_334 = tpu.memref_slice %arg11[%dma_wait3A_332, %dma_wait3A_333] : memref<40x128xi32, #tpu.memory_space<vmem>> -> memref<1x128xi32, #tpu.memory_space<vmem>>
    %dma_wait3A_335 = tpu.memref_squeeze %dma_wait3A_334 : memref<1x128xi32, #tpu.memory_space<vmem>> -> memref<128xi32, #tpu.memory_space<vmem>>
    %dma_wait3A_336 = arith.constant 0 : i32
    %dma_wait3A_337 = tpu.memref_slice %arg8[%dma_wait3A_336] : memref<10240xf32, #tpu.memory_space<vmem_shared>> -> memref<10240xf32, #tpu.memory_space<vmem_shared>>
    tpu.wait_indirect_dma semaphore(%arg19 : memref<!tpu.dma_semaphore, #tpu.memory_space<semaphore_mem>>) src(%arg12 : memref<128xf32, #tpu.memory_space<vmem>>) dst(%dma_wait3A_337 : memref<10240xf32, #tpu.memory_space<vmem_shared>>)
    %barrier3A_338 = arith.constant 0 : index
    tpu.barrier barrier_id(%barrier3A_338)
    %mul3A_339 = arith.constant 640 : i32
    %mul3A_340 = arith.muli %arg1, %mul3A_339 : i32
    %mul3A_341 = arith.constant 640 : i32
    %mul3A_342 = arith.muli %arg1, %mul3A_341 : i32
    "tpu.region"() ({
      %run_scoped3A_350 = tpu.sem_alloc : memref<!tpu.dma_semaphore, #tpu.memory_space<semaphore_mem>>
      %dma_start3A_351 = arith.constant 0 : i32
      %dma_start3A_352 = tpu.memref_slice %arg5[%arg0, %mul3A_342, %dma_start3A_351] : memref<2x10240x128xf32, #tpu.memory_space<hbm>> -> memref<1x640x128xf32, #tpu.memory_space<hbm>>
      %dma_start3A_353 = tpu.memref_squeeze %dma_start3A_352 : memref<1x640x128xf32, #tpu.memory_space<hbm>> -> memref<640x128xf32, #tpu.memory_space<hbm>>
      %dma_start3A_354 = arith.constant 0 : i32
      %dma_start3A_355 = tpu.memref_slice %arg7[%mul3A_340, %dma_start3A_354] : memref<10240x128xf32, #tpu.memory_space<vmem_shared>> -> memref<640x128xf32, #tpu.memory_space<vmem_shared>>
      tpu.enqueue_dma source(%dma_start3A_355 : memref<640x128xf32, #tpu.memory_space<vmem_shared>>) target(%dma_start3A_353 : memref<640x128xf32, #tpu.memory_space<hbm>>) target_semaphore(%run_scoped3A_350 : memref<!tpu.dma_semaphore, #tpu.memory_space<semaphore_mem>>)
      %dma_wait3A_356 = arith.constant 0 : i32
      %dma_wait3A_357 = tpu.memref_slice %arg5[%arg0, %mul3A_342, %dma_wait3A_356] : memref<2x10240x128xf32, #tpu.memory_space<hbm>> -> memref<1x640x128xf32, #tpu.memory_space<hbm>>
      %dma_wait3A_358 = tpu.memref_squeeze %dma_wait3A_357 : memref<1x640x128xf32, #tpu.memory_space<hbm>> -> memref<640x128xf32, #tpu.memory_space<hbm>>
      %dma_wait3A_359 = arith.constant 0 : i32
      %dma_wait3A_360 = tpu.memref_slice %arg7[%mul3A_340, %dma_wait3A_359] : memref<10240x128xf32, #tpu.memory_space<vmem_shared>> -> memref<640x128xf32, #tpu.memory_space<vmem_shared>>
      tpu.wait_dma2 semaphore(%run_scoped3A_350 : memref<!tpu.dma_semaphore, #tpu.memory_space<semaphore_mem>>) src(%dma_wait3A_360 : memref<640x128xf32, #tpu.memory_space<vmem_shared>>) dst(%dma_wait3A_358 : memref<640x128xf32, #tpu.memory_space<hbm>>)
      tpu.yield
    }) : () -> ()
    %mul3A_343 = arith.constant 640 : i32
    %mul3A_344 = arith.muli %arg1, %mul3A_343 : i32
    %mul3A_345 = arith.constant 10240 : i32
    %mul3A_346 = arith.muli %arg0, %mul3A_345 : i32
    %mul3A_347 = arith.constant 640 : i32
    %mul3A_348 = arith.muli %arg1, %mul3A_347 : i32
    %add3A_349 = arith.addi %mul3A_346, %mul3A_348 : i32
    "tpu.region"() ({
      %run_scoped3A_350 = tpu.sem_alloc : memref<!tpu.dma_semaphore, #tpu.memory_space<semaphore_mem>>
      %dma_start3A_351 = tpu.memref_slice %arg6[%add3A_349] : memref<20480xf32, #tpu.memory_space<hbm>> -> memref<640xf32, #tpu.memory_space<hbm>>
      %dma_start3A_352 = tpu.memref_slice %arg8[%mul3A_344] : memref<10240xf32, #tpu.memory_space<vmem_shared>> -> memref<640xf32, #tpu.memory_space<vmem_shared>>
      tpu.enqueue_dma source(%dma_start3A_352 : memref<640xf32, #tpu.memory_space<vmem_shared>>) target(%dma_start3A_351 : memref<640xf32, #tpu.memory_space<hbm>>) target_semaphore(%run_scoped3A_350 : memref<!tpu.dma_semaphore, #tpu.memory_space<semaphore_mem>>)
      %dma_wait3A_353 = tpu.memref_slice %arg6[%add3A_349] : memref<20480xf32, #tpu.memory_space<hbm>> -> memref<640xf32, #tpu.memory_space<hbm>>
      %dma_wait3A_354 = tpu.memref_slice %arg8[%mul3A_344] : memref<10240xf32, #tpu.memory_space<vmem_shared>> -> memref<640xf32, #tpu.memory_space<vmem_shared>>
      tpu.wait_dma2 semaphore(%run_scoped3A_350 : memref<!tpu.dma_semaphore, #tpu.memory_space<semaphore_mem>>) src(%dma_wait3A_354 : memref<640xf32, #tpu.memory_space<vmem_shared>>) dst(%dma_wait3A_353 : memref<640xf32, #tpu.memory_space<hbm>>)
      tpu.yield
    }) : () -> ()
    return
  }
}

module attributes {stable_mosaic.version = 14 : i64} {
  func.func @_tail_body(%arg0: i32, %arg1: i32, %arg2: memref<2x1000x128xf32, #tpu.memory_space<vmem>>, %arg3: memref<20480x1xf32, #tpu.memory_space<vmem>>, %arg4: memref<1000x128xf32, #tpu.memory_space<vmem>>, %arg5: memref<128x128xf32, #tpu.memory_space<vmem>>, %arg6: memref<1x128xf32, #tpu.memory_space<vmem>>, %arg7: memref<128x128xf32, #tpu.memory_space<vmem>>, %arg8: memref<1x128xf32, #tpu.memory_space<vmem>>, %arg9: memref<128x128xf32, #tpu.memory_space<vmem>>, %arg10: memref<1x128xf32, #tpu.memory_space<vmem>>, %arg11: memref<1x128xf32, #tpu.memory_space<vmem>>, %arg12: memref<1x128xf32, #tpu.memory_space<vmem>>, %arg13: memref<128x128xf32, #tpu.memory_space<vmem>>, %arg14: memref<1x128xf32, #tpu.memory_space<vmem>>, %arg15: memref<1000x128xf32, #tpu.memory_space<vmem>>, %arg16: memref<10000x128xf32, #tpu.memory_space<vmem>>, %arg17: memref<1x128xf32, #tpu.memory_space<vmem>>, %arg18: memref<1x128xf32, #tpu.memory_space<vmem>>, %arg19: memref<128x128xf32, #tpu.memory_space<vmem>>, %arg20: memref<128x128xf32, #tpu.memory_space<vmem>>) attributes {dimension_semantics = [#tpu.dimension_semantics<arbitrary>, #tpu.dimension_semantics<arbitrary>], iteration_bounds = array<i64: 2, 10>, scalar_prefetch = 0 : i64, scratch_operands = 5 : i64, tpu.core_type = #tpu.core_type<tc>, window_params = [{transform_indices = @transform_0, window_bounds = array<i64: 2, 1000, 128>}, {pipeline_mode = #tpu.pipeline_mode<synchronous>, transform_indices = @transform_1, window_bounds = array<i64: 20480, 1>}, {transform_indices = @transform_2, window_bounds = array<i64: 1000, 128>}, {pipeline_mode = #tpu.pipeline_mode<synchronous>, transform_indices = @transform_3, window_bounds = array<i64: 128, 128>}, {pipeline_mode = #tpu.pipeline_mode<synchronous>, transform_indices = @transform_4, window_bounds = array<i64: 1, 128>}, {pipeline_mode = #tpu.pipeline_mode<synchronous>, transform_indices = @transform_5, window_bounds = array<i64: 128, 128>}, {pipeline_mode = #tpu.pipeline_mode<synchronous>, transform_indices = @transform_6, window_bounds = array<i64: 1, 128>}, {pipeline_mode = #tpu.pipeline_mode<synchronous>, transform_indices = @transform_7, window_bounds = array<i64: 128, 128>}, {pipeline_mode = #tpu.pipeline_mode<synchronous>, transform_indices = @transform_8, window_bounds = array<i64: 1, 128>}, {pipeline_mode = #tpu.pipeline_mode<synchronous>, transform_indices = @transform_9, window_bounds = array<i64: 1, 128>}, {pipeline_mode = #tpu.pipeline_mode<synchronous>, transform_indices = @transform_10, window_bounds = array<i64: 1, 128>}, {pipeline_mode = #tpu.pipeline_mode<synchronous>, transform_indices = @transform_11, window_bounds = array<i64: 128, 128>}, {pipeline_mode = #tpu.pipeline_mode<synchronous>, transform_indices = @transform_12, window_bounds = array<i64: 1, 128>}, {transform_indices = @transform_13, window_bounds = array<i64: 1000, 128>}]} {
    %eq3A = arith.constant 0 : i32
    %eq3A_0 = arith.cmpi eq, %arg0, %eq3A : i32
    %eq3A_1 = arith.constant 0 : i32
    %eq3A_2 = arith.cmpi eq, %arg1, %eq3A_1 : i32
    %and3A = arith.andi %eq3A_0, %eq3A_2 : i1
    %convert_element_type3A = arith.extui %and3A : i1 to i32
    %cond3A = arith.constant 0 : i32
    %cond3A_3 = arith.cmpi ne, %convert_element_type3A, %cond3A : i32
    scf.if %cond3A_3 {
      %get3A = arith.constant 0 : index
      %get3A_14 = arith.constant 0 : index
      %get3A_15 = vector.load %arg7[%get3A, %get3A_14] : memref<128x128xf32, #tpu.memory_space<vmem>>, vector<128x128xf32>
      %get3A_16 = arith.constant 0 : index
      %get3A_17 = arith.constant 0 : index
      %get3A_18 = vector.load %arg5[%get3A_16, %get3A_17] : memref<128x128xf32, #tpu.memory_space<vmem>>, vector<128x128xf32>
      %transpose3A = tpu.transpose %get3A_18, [1, 0] : vector<128x128xf32> -> vector<128x128xf32>
      %dot_general3A = arith.constant dense<0.000000e+00> : vector<128x128xf32>
      %dot_general3A_19 = tpu.matmul %get3A_15, %transpose3A, %dot_general3A {dimension_numbers = #tpu.dot_dimension_numbers<[1], [1], [0], [0], [0, 0, 1, 0], [], []>, transpose_lhs_hint = false} : vector<128x128xf32>, vector<128x128xf32>, vector<128x128xf32> -> vector<128x128xf32>
      %swap3A = arith.constant 0 : index
      %swap3A_20 = arith.constant 0 : index
      %swap3A_21 = vector.load %arg19[%swap3A, %swap3A_20] : memref<128x128xf32, #tpu.memory_space<vmem>>, vector<128x128xf32>
      tpu.vector_store %arg19[%swap3A, %swap3A_20], %dot_general3A_19 {strides = array<i32>} : memref<128x128xf32, #tpu.memory_space<vmem>>, vector<128x128xf32>,
      %get3A_22 = arith.constant 0 : index
      %get3A_23 = arith.constant 0 : index
      %get3A_24 = vector.load %arg9[%get3A_22, %get3A_23] : memref<128x128xf32, #tpu.memory_space<vmem>>, vector<128x128xf32>
      %get3A_25 = arith.constant 0 : index
      %get3A_26 = arith.constant 0 : index
      %get3A_27 = vector.load %arg5[%get3A_25, %get3A_26] : memref<128x128xf32, #tpu.memory_space<vmem>>, vector<128x128xf32>
      %transpose3A_28 = tpu.transpose %get3A_27, [1, 0] : vector<128x128xf32> -> vector<128x128xf32>
      %dot_general3A_29 = arith.constant dense<0.000000e+00> : vector<128x128xf32>
      %dot_general3A_30 = tpu.matmul %get3A_24, %transpose3A_28, %dot_general3A_29 {dimension_numbers = #tpu.dot_dimension_numbers<[1], [1], [0], [0], [0, 0, 1, 0], [], []>, transpose_lhs_hint = false} : vector<128x128xf32>, vector<128x128xf32>, vector<128x128xf32> -> vector<128x128xf32>
      %swap3A_31 = arith.constant 0 : index
      %swap3A_32 = arith.constant 0 : index
      %swap3A_33 = vector.load %arg20[%swap3A_31, %swap3A_32] : memref<128x128xf32, #tpu.memory_space<vmem>>, vector<128x128xf32>
      tpu.vector_store %arg20[%swap3A_31, %swap3A_32], %dot_general3A_30 {strides = array<i32>} : memref<128x128xf32, #tpu.memory_space<vmem>>, vector<128x128xf32>,
      %broadcast_in_dim3A = arith.constant 0.000000e+00 : f32
      %broadcast_in_dim3A_34 = vector.broadcast %broadcast_in_dim3A : f32 to vector<1x128xf32>
      %swap3A_35 = arith.constant 0 : index
      %swap3A_36 = arith.constant 0 : index
      %swap3A_37 = vector.load %arg17[%swap3A_35, %swap3A_36] : memref<1x128xf32, #tpu.memory_space<vmem>>, vector<1x128xf32>
      tpu.vector_store %arg17[%swap3A_35, %swap3A_36], %broadcast_in_dim3A_34 {strides = array<i32>} : memref<1x128xf32, #tpu.memory_space<vmem>>, vector<1x128xf32>,
      %broadcast_in_dim3A_38 = arith.constant 0.000000e+00 : f32
      %broadcast_in_dim3A_39 = vector.broadcast %broadcast_in_dim3A_38 : f32 to vector<1x128xf32>
      %swap3A_40 = arith.constant 0 : index
      %swap3A_41 = arith.constant 0 : index
      %swap3A_42 = vector.load %arg18[%swap3A_40, %swap3A_41] : memref<1x128xf32, #tpu.memory_space<vmem>>, vector<1x128xf32>
      tpu.vector_store %arg18[%swap3A_40, %swap3A_41], %broadcast_in_dim3A_39 {strides = array<i32>} : memref<1x128xf32, #tpu.memory_space<vmem>>, vector<1x128xf32>,
    } else {
    }
    %eq3A_4 = arith.constant 0 : i32
    %eq3A_5 = arith.cmpi eq, %arg0, %eq3A_4 : i32
    %convert_element_type3A_6 = arith.extui %eq3A_5 : i1 to i32
    %cond3A_7 = arith.constant 0 : i32
    %cond3A_8 = arith.cmpi ne, %convert_element_type3A_6, %cond3A_7 : i32
    scf.if %cond3A_8 {
      %get3A = arith.constant 0 : index
      %get3A_14 = arith.constant 0 : index
      %get3A_15 = arith.constant 0 : index
      %get3A_16 = vector.load %arg2[%get3A, %get3A_14, %get3A_15] : memref<2x1000x128xf32, #tpu.memory_space<vmem>>, vector<1x1000x128xf32>
      %get3A_17 = vector.shape_cast %get3A_16 : vector<1x1000x128xf32> to vector<1000x128xf32>
      %get3A_18 = arith.constant 1 : index
      %get3A_19 = arith.constant 0 : index
      %get3A_20 = arith.constant 0 : index
      %get3A_21 = vector.load %arg2[%get3A_18, %get3A_19, %get3A_20] : memref<2x1000x128xf32, #tpu.memory_space<vmem>>, vector<1x1000x128xf32>
      %get3A_22 = vector.shape_cast %get3A_21 : vector<1x1000x128xf32> to vector<1000x128xf32>
      %add3A = arith.addf %get3A_17, %get3A_22 : vector<1000x128xf32>
      %mul3A = arith.constant 1000 : i32
      %mul3A_23 = arith.muli %arg1, %mul3A : i32
      %get3A_24 = arith.index_cast %mul3A_23 : i32 to index
      %get3A_25 = arith.constant 0 : index
      %get3A_26 = vector.load %arg3[%get3A_24, %get3A_25] : memref<20480x1xf32, #tpu.memory_space<vmem>>, vector<1000x1xf32>
      %mul3A_27 = arith.constant 1000 : i32
      %mul3A_28 = arith.muli %arg1, %mul3A_27 : i32
      %add3A_29 = arith.constant 10240 : i32
      %add3A_30 = arith.addi %add3A_29, %mul3A_28 : i32
      %get3A_31 = arith.index_cast %add3A_30 : i32 to index
      %get3A_32 = arith.constant 0 : index
      %get3A_33 = vector.load %arg3[%get3A_31, %get3A_32] : memref<20480x1xf32, #tpu.memory_space<vmem>>, vector<1000x1xf32>
      %add3A_34 = arith.addf %get3A_26, %get3A_33 : vector<1000x1xf32>
      %jit3A = arith.constant 1.000000e+00 : f32
      %max3A = vector.broadcast %jit3A : f32 to vector<1000x1xf32>
      %max3A_35 = arith.maximumf %max3A, %add3A_34 : vector<1000x1xf32>
      %get3A_36 = arith.constant 0 : index
      %get3A_37 = arith.constant 0 : index
      %get3A_38 = vector.load %arg6[%get3A_36, %get3A_37] : memref<1x128xf32, #tpu.memory_space<vmem>>, vector<1x128xf32>
      %div3A = vector.broadcast %max3A_35 : vector<1000x1xf32> to vector<1000x128xf32>
      %div3A_39 = arith.divf %add3A, %div3A : vector<1000x128xf32>
      %get3A_40 = arith.constant 0 : index
      %get3A_41 = arith.constant 0 : index
      %get3A_42 = vector.load %arg19[%get3A_40, %get3A_41] : memref<128x128xf32, #tpu.memory_space<vmem>>, vector<128x128xf32>
      %dot_general3A = arith.constant dense<0.000000e+00> : vector<1000x128xf32>
      %dot_general3A_43 = tpu.matmul %div3A_39, %get3A_42, %dot_general3A {dimension_numbers = #tpu.dot_dimension_numbers<[1], [1], [0], [0], [0, 0, 1, 0], [], []>, transpose_lhs_hint = false} : vector<1000x128xf32>, vector<128x128xf32>, vector<1000x128xf32> -> vector<1000x128xf32>
      %get3A_44 = arith.constant 0 : index
      %get3A_45 = arith.constant 0 : index
      %get3A_46 = vector.load %arg4[%get3A_44, %get3A_45] : memref<1000x128xf32, #tpu.memory_space<vmem>>, vector<1000x128xf32>
      %get3A_47 = arith.constant 0 : index
      %get3A_48 = arith.constant 0 : index
      %get3A_49 = vector.load %arg20[%get3A_47, %get3A_48] : memref<128x128xf32, #tpu.memory_space<vmem>>, vector<128x128xf32>
      %dot_general3A_50 = arith.constant dense<0.000000e+00> : vector<1000x128xf32>
      %dot_general3A_51 = tpu.matmul %get3A_46, %get3A_49, %dot_general3A_50 {dimension_numbers = #tpu.dot_dimension_numbers<[1], [1], [0], [0], [0, 0, 1, 0], [], []>, transpose_lhs_hint = false} : vector<1000x128xf32>, vector<128x128xf32>, vector<1000x128xf32> -> vector<1000x128xf32>
      %add3A_52 = arith.addf %dot_general3A_43, %dot_general3A_51 : vector<1000x128xf32>
      %div3A_53 = arith.divf %add3A_34, %max3A_35 : vector<1000x1xf32>
      %get3A_54 = arith.constant 0 : index
      %get3A_55 = arith.constant 0 : index
      %get3A_56 = vector.load %arg7[%get3A_54, %get3A_55] : memref<128x128xf32, #tpu.memory_space<vmem>>, vector<128x128xf32>
      %dot_general3A_57 = arith.constant dense<0.000000e+00> : vector<1x128xf32>
      %dot_general3A_58 = tpu.matmul %get3A_38, %get3A_56, %dot_general3A_57 {dimension_numbers = #tpu.dot_dimension_numbers<[1], [1], [0], [0], [0, 0, 1, 0], [], []>, transpose_lhs_hint = false} : vector<1x128xf32>, vector<128x128xf32>, vector<1x128xf32> -> vector<1x128xf32>
      %mul3A_59 = vector.broadcast %div3A_53 : vector<1000x1xf32> to vector<1000x128xf32>
      %mul3A_60 = vector.broadcast %dot_general3A_58 : vector<1x128xf32> to vector<1000x128xf32>
      %mul3A_61 = arith.mulf %mul3A_59, %mul3A_60 : vector<1000x128xf32>
      %add3A_62 = arith.addf %add3A_52, %mul3A_61 : vector<1000x128xf32>
      %get3A_63 = arith.constant 0 : index
      %get3A_64 = arith.constant 0 : index
      %get3A_65 = vector.load %arg9[%get3A_63, %get3A_64] : memref<128x128xf32, #tpu.memory_space<vmem>>, vector<128x128xf32>
      %dot_general3A_66 = arith.constant dense<0.000000e+00> : vector<1x128xf32>
      %dot_general3A_67 = tpu.matmul %get3A_38, %get3A_65, %dot_general3A_66 {dimension_numbers = #tpu.dot_dimension_numbers<[1], [1], [0], [0], [0, 0, 1, 0], [], []>, transpose_lhs_hint = false} : vector<1x128xf32>, vector<128x128xf32>, vector<1x128xf32> -> vector<1x128xf32>
      %add3A_68 = vector.broadcast %dot_general3A_67 : vector<1x128xf32> to vector<1000x128xf32>
      %add3A_69 = arith.addf %add3A_62, %add3A_68 : vector<1000x128xf32>
      %get3A_70 = arith.constant 0 : index
      %get3A_71 = arith.constant 0 : index
      %get3A_72 = vector.load %arg8[%get3A_70, %get3A_71] : memref<1x128xf32, #tpu.memory_space<vmem>>, vector<1x128xf32>
      %add3A_73 = vector.broadcast %get3A_72 : vector<1x128xf32> to vector<1000x128xf32>
      %add3A_74 = arith.addf %add3A_69, %add3A_73 : vector<1000x128xf32>
      %mul3A_75 = arith.constant 1000 : i32
      %mul3A_76 = arith.muli %arg1, %mul3A_75 : i32
      %swap3A = arith.index_cast %mul3A_76 : i32 to index
      %swap3A_77 = arith.constant 0 : index
      %swap3A_78 = vector.load %arg16[%swap3A, %swap3A_77] : memref<10000x128xf32, #tpu.memory_space<vmem>>, vector<1000x128xf32>
      tpu.vector_store %arg16[%swap3A, %swap3A_77], %add3A_74 {strides = array<i32>} : memref<10000x128xf32, #tpu.memory_space<vmem>>, vector<1000x128xf32>,
      %get3A_79 = arith.constant 0 : index
      %get3A_80 = arith.constant 0 : index
      %get3A_81 = vector.load %arg17[%get3A_79, %get3A_80] : memref<1x128xf32, #tpu.memory_space<vmem>>, vector<1x128xf32>
      %reduce_sum3A = arith.constant dense<0.000000e+00> : vector<128xf32>
      %reduce_sum3A_82 = vector.multi_reduction <add>, %add3A_74, %reduce_sum3A [0] : vector<1000x128xf32> to vector<128xf32>
      %broadcast_in_dim3A = vector.shape_cast %reduce_sum3A_82 : vector<128xf32> to vector<1x128xf32>
      %add3A_83 = arith.addf %get3A_81, %broadcast_in_dim3A : vector<1x128xf32>
      %swap3A_84 = arith.constant 0 : index
      %swap3A_85 = arith.constant 0 : index
      %swap3A_86 = vector.load %arg17[%swap3A_84, %swap3A_85] : memref<1x128xf32, #tpu.memory_space<vmem>>, vector<1x128xf32>
      tpu.vector_store %arg17[%swap3A_84, %swap3A_85], %add3A_83 {strides = array<i32>} : memref<1x128xf32, #tpu.memory_space<vmem>>, vector<1x128xf32>,
      %get3A_87 = arith.constant 0 : index
      %get3A_88 = arith.constant 0 : index
      %get3A_89 = vector.load %arg18[%get3A_87, %get3A_88] : memref<1x128xf32, #tpu.memory_space<vmem>>, vector<1x128xf32>
      %mul3A_90 = arith.mulf %add3A_74, %add3A_74 : vector<1000x128xf32>
      %reduce_sum3A_91 = arith.constant dense<0.000000e+00> : vector<128xf32>
      %reduce_sum3A_92 = vector.multi_reduction <add>, %mul3A_90, %reduce_sum3A_91 [0] : vector<1000x128xf32> to vector<128xf32>
      %broadcast_in_dim3A_93 = vector.shape_cast %reduce_sum3A_92 : vector<128xf32> to vector<1x128xf32>
      %add3A_94 = arith.addf %get3A_89, %broadcast_in_dim3A_93 : vector<1x128xf32>
      %swap3A_95 = arith.constant 0 : index
      %swap3A_96 = arith.constant 0 : index
      %swap3A_97 = vector.load %arg18[%swap3A_95, %swap3A_96] : memref<1x128xf32, #tpu.memory_space<vmem>>, vector<1x128xf32>
      tpu.vector_store %arg18[%swap3A_95, %swap3A_96], %add3A_94 {strides = array<i32>} : memref<1x128xf32, #tpu.memory_space<vmem>>, vector<1x128xf32>,
    } else {
    }
    %eq3A_9 = arith.constant 1 : i32
    %eq3A_10 = arith.cmpi eq, %arg0, %eq3A_9 : i32
    %convert_element_type3A_11 = arith.extui %eq3A_10 : i1 to i32
    %cond3A_12 = arith.constant 0 : i32
    %cond3A_13 = arith.cmpi ne, %convert_element_type3A_11, %cond3A_12 : i32
    scf.if %cond3A_13 {
      %get3A = arith.constant 0 : index
      %get3A_14 = arith.constant 0 : index
      %get3A_15 = vector.load %arg17[%get3A, %get3A_14] : memref<1x128xf32, #tpu.memory_space<vmem>>, vector<1x128xf32>
      %mul3A = arith.constant 9.99999974E-5 : f32
      %mul3A_16 = vector.broadcast %mul3A : f32 to vector<1x128xf32>
      %mul3A_17 = arith.mulf %get3A_15, %mul3A_16 : vector<1x128xf32>
      %get3A_18 = arith.constant 0 : index
      %get3A_19 = arith.constant 0 : index
      %get3A_20 = vector.load %arg18[%get3A_18, %get3A_19] : memref<1x128xf32, #tpu.memory_space<vmem>>, vector<1x128xf32>
      %mul3A_21 = arith.constant 9.99999974E-5 : f32
      %mul3A_22 = vector.broadcast %mul3A_21 : f32 to vector<1x128xf32>
      %mul3A_23 = arith.mulf %get3A_20, %mul3A_22 : vector<1x128xf32>
      %get3A_24 = arith.constant 0 : index
      %get3A_25 = arith.constant 0 : index
      %get3A_26 = vector.load %arg12[%get3A_24, %get3A_25] : memref<1x128xf32, #tpu.memory_space<vmem>>, vector<1x128xf32>
      %mul3A_27 = arith.mulf %get3A_26, %mul3A_17 : vector<1x128xf32>
      %mul3A_28 = arith.constant 2.000000e+00 : f32
      %mul3A_29 = vector.broadcast %mul3A_28 : f32 to vector<1x128xf32>
      %mul3A_30 = arith.mulf %mul3A_29, %mul3A_27 : vector<1x128xf32>
      %mul3A_31 = arith.mulf %mul3A_30, %mul3A_17 : vector<1x128xf32>
      %sub3A = arith.subf %mul3A_23, %mul3A_31 : vector<1x128xf32>
      %mul3A_32 = arith.mulf %mul3A_27, %mul3A_27 : vector<1x128xf32>
      %add3A = arith.addf %sub3A, %mul3A_32 : vector<1x128xf32>
      %add3A_33 = arith.constant 9.99999974E-6 : f32
      %add3A_34 = vector.broadcast %add3A_33 : f32 to vector<1x128xf32>
      %add3A_35 = arith.addf %add3A, %add3A_34 : vector<1x128xf32>
      %rsqrt3A = math.rsqrt %add3A_35 : vector<1x128xf32>
      %mul3A_36 = arith.constant 1000 : i32
      %mul3A_37 = arith.muli %arg1, %mul3A_36 : i32
      %get3A_38 = arith.index_cast %mul3A_37 : i32 to index
      %get3A_39 = arith.constant 0 : index
      %get3A_40 = vector.load %arg16[%get3A_38, %get3A_39] : memref<10000x128xf32, #tpu.memory_space<vmem>>, vector<1000x128xf32>
      %get3A_41 = arith.constant 0 : index
      %get3A_42 = arith.constant 0 : index
      %get3A_43 = vector.load %arg10[%get3A_41, %get3A_42] : memref<1x128xf32, #tpu.memory_space<vmem>>, vector<1x128xf32>
      %sub3A_44 = vector.broadcast %mul3A_27 : vector<1x128xf32> to vector<1000x128xf32>
      %sub3A_45 = arith.subf %get3A_40, %sub3A_44 : vector<1000x128xf32>
      %mul3A_46 = vector.broadcast %rsqrt3A : vector<1x128xf32> to vector<1000x128xf32>
      %mul3A_47 = arith.mulf %sub3A_45, %mul3A_46 : vector<1000x128xf32>
      %mul3A_48 = vector.broadcast %get3A_43 : vector<1x128xf32> to vector<1000x128xf32>
      %mul3A_49 = arith.mulf %mul3A_48, %mul3A_47 : vector<1000x128xf32>
      %get3A_50 = arith.constant 0 : index
      %get3A_51 = arith.constant 0 : index
      %get3A_52 = vector.load %arg11[%get3A_50, %get3A_51] : memref<1x128xf32, #tpu.memory_space<vmem>>, vector<1x128xf32>
      %add3A_53 = vector.broadcast %get3A_52 : vector<1x128xf32> to vector<1000x128xf32>
      %add3A_54 = arith.addf %mul3A_49, %add3A_53 : vector<1000x128xf32>
      %gt3A = arith.constant 0.000000e+00 : f32
      %gt3A_55 = vector.broadcast %gt3A : f32 to vector<1000x128xf32>
      %gt3A_56 = arith.cmpf ogt, %add3A_54, %gt3A_55 : vector<1000x128xf32>
      %mul3A_57 = arith.constant 1.000000e-01 : f32
      %mul3A_58 = vector.broadcast %mul3A_57 : f32 to vector<1000x128xf32>
      %mul3A_59 = arith.mulf %mul3A_58, %add3A_54 : vector<1000x128xf32>
      %select_n3A = arith.select %gt3A_56, %add3A_54, %mul3A_59 : vector<1000x128xi1>, vector<1000x128xf32>
      %get3A_60 = arith.constant 0 : index
      %get3A_61 = arith.constant 0 : index
      %get3A_62 = vector.load %arg13[%get3A_60, %get3A_61] : memref<128x128xf32, #tpu.memory_space<vmem>>, vector<128x128xf32>
      %dot_general3A = arith.constant dense<0.000000e+00> : vector<1000x128xf32>
      %dot_general3A_63 = tpu.matmul %select_n3A, %get3A_62, %dot_general3A {dimension_numbers = #tpu.dot_dimension_numbers<[1], [1], [0], [0], [0, 0, 1, 0], [], []>, transpose_lhs_hint = false} : vector<1000x128xf32>, vector<128x128xf32>, vector<1000x128xf32> -> vector<1000x128xf32>
      %get3A_64 = arith.constant 0 : index
      %get3A_65 = arith.constant 0 : index
      %get3A_66 = vector.load %arg14[%get3A_64, %get3A_65] : memref<1x128xf32, #tpu.memory_space<vmem>>, vector<1x128xf32>
      %add3A_67 = vector.broadcast %get3A_66 : vector<1x128xf32> to vector<1000x128xf32>
      %add3A_68 = arith.addf %dot_general3A_63, %add3A_67 : vector<1000x128xf32>
      %swap3A = arith.constant 0 : index
      %swap3A_69 = arith.constant 0 : index
      %swap3A_70 = vector.load %arg15[%swap3A, %swap3A_69] : memref<1000x128xf32, #tpu.memory_space<vmem>>, vector<1000x128xf32>
      tpu.vector_store %arg15[%swap3A, %swap3A_69], %add3A_68 {strides = array<i32>} : memref<1000x128xf32, #tpu.memory_space<vmem>>, vector<1000x128xf32>,
    } else {
    }
    return
  }
  func.func @transform_0(%arg0: i32, %arg1: i32) -> (i32, i32, i32) {
    %sub3A = arith.constant 1 : i32
    %sub3A_0 = arith.subi %sub3A, %arg0 : i32
    %mul3A = arith.muli %arg1, %sub3A_0 : i32
    %c0_i32 = arith.constant 0 : i32
    %c0_i32_1 = arith.constant 0 : i32
    %c0_i32_2 = arith.constant 0 : i32
    return %c0_i32, %mul3A, %c0_i32_1 : i32, i32, i32
  }
  func.func @transform_1(%arg0: i32, %arg1: i32) -> (i32, i32) {
    %c0_i32 = arith.constant 0 : i32
    %c0_i32_0 = arith.constant 0 : i32
    %c0_i32_1 = arith.constant 0 : i32
    return %c0_i32, %c0_i32_0 : i32, i32
  }
  func.func @transform_2(%arg0: i32, %arg1: i32) -> (i32, i32) {
    %sub3A = arith.constant 1 : i32
    %sub3A_0 = arith.subi %sub3A, %arg0 : i32
    %mul3A = arith.muli %arg1, %sub3A_0 : i32
    %c0_i32 = arith.constant 0 : i32
    %c0_i32_1 = arith.constant 0 : i32
    return %mul3A, %c0_i32 : i32, i32
  }
  func.func @transform_3(%arg0: i32, %arg1: i32) -> (i32, i32) {
    %c0_i32 = arith.constant 0 : i32
    %c0_i32_0 = arith.constant 0 : i32
    %c0_i32_1 = arith.constant 0 : i32
    return %c0_i32, %c0_i32_0 : i32, i32
  }
  func.func @transform_4(%arg0: i32, %arg1: i32) -> (i32, i32) {
    %c0_i32 = arith.constant 0 : i32
    %c0_i32_0 = arith.constant 0 : i32
    %c0_i32_1 = arith.constant 0 : i32
    return %c0_i32, %c0_i32_0 : i32, i32
  }
  func.func @transform_5(%arg0: i32, %arg1: i32) -> (i32, i32) {
    %c0_i32 = arith.constant 0 : i32
    %c0_i32_0 = arith.constant 0 : i32
    %c0_i32_1 = arith.constant 0 : i32
    return %c0_i32, %c0_i32_0 : i32, i32
  }
  func.func @transform_6(%arg0: i32, %arg1: i32) -> (i32, i32) {
    %c0_i32 = arith.constant 0 : i32
    %c0_i32_0 = arith.constant 0 : i32
    %c0_i32_1 = arith.constant 0 : i32
    return %c0_i32, %c0_i32_0 : i32, i32
  }
  func.func @transform_7(%arg0: i32, %arg1: i32) -> (i32, i32) {
    %c0_i32 = arith.constant 0 : i32
    %c0_i32_0 = arith.constant 0 : i32
    %c0_i32_1 = arith.constant 0 : i32
    return %c0_i32, %c0_i32_0 : i32, i32
  }
  func.func @transform_8(%arg0: i32, %arg1: i32) -> (i32, i32) {
    %c0_i32 = arith.constant 0 : i32
    %c0_i32_0 = arith.constant 0 : i32
    %c0_i32_1 = arith.constant 0 : i32
    return %c0_i32, %c0_i32_0 : i32, i32
  }
  func.func @transform_9(%arg0: i32, %arg1: i32) -> (i32, i32) {
    %c0_i32 = arith.constant 0 : i32
    %c0_i32_0 = arith.constant 0 : i32
    %c0_i32_1 = arith.constant 0 : i32
    return %c0_i32, %c0_i32_0 : i32, i32
  }
  func.func @transform_10(%arg0: i32, %arg1: i32) -> (i32, i32) {
    %c0_i32 = arith.constant 0 : i32
    %c0_i32_0 = arith.constant 0 : i32
    %c0_i32_1 = arith.constant 0 : i32
    return %c0_i32, %c0_i32_0 : i32, i32
  }
  func.func @transform_11(%arg0: i32, %arg1: i32) -> (i32, i32) {
    %c0_i32 = arith.constant 0 : i32
    %c0_i32_0 = arith.constant 0 : i32
    %c0_i32_1 = arith.constant 0 : i32
    return %c0_i32, %c0_i32_0 : i32, i32
  }
  func.func @transform_12(%arg0: i32, %arg1: i32) -> (i32, i32) {
    %c0_i32 = arith.constant 0 : i32
    %c0_i32_0 = arith.constant 0 : i32
    %c0_i32_1 = arith.constant 0 : i32
    return %c0_i32, %c0_i32_0 : i32, i32
  }
  func.func @transform_13(%arg0: i32, %arg1: i32) -> (i32, i32) {
    %mul3A = arith.muli %arg1, %arg0 : i32
    %c0_i32 = arith.constant 0 : i32
    %c0_i32_0 = arith.constant 0 : i32
    return %mul3A, %c0_i32 : i32, i32
  }
}

</mosaic_0001>

<sc_bundles>
// kernel: kernel.4.cloned.1.call-start
scs
__scs_entry_jumppad:
0x0: {  	(pc) =	sbr.rel $0x88, $3  }
0x1: {  	(tag) =	ssettag $0x0;
	lr =	simm.s32 $0x1  }
0x2: {  	[smem:$0x3F95] =	sst lr;
	_ =	strace $0xD0000000  }
0x3: {  	_ = 	snop  }
0x4: {  	_ = 	snop  }
0x5: {  	_ = 	snop  }
0x6: {  	_ = 	snop  }
0x7: {  	_ = 	snop  }
__scs_overlays_trampoline_lowered:
0x8: {  	[smem:$0x3FA4] =	sst s0  }
0x9: {  	[smem:$0x3FA5] =	sst s1  }
0xa: {  	[smem:$0x3FA6] =	sst s2  }
0xb: {  	[smem:$0x3FA7] =	sst s3  }
0xc: {  	[smem:$0x3FA8] =	sst s4  }
0xd: {  	[smem:$0x3FA9] =	sst s5  }
0xe: {  	[smem:$0x3FAA] =	sst s6  }
0xf: {  	[smem:$0x3FAB] =	sst s7  }
0x10: {  	[smem:$0x3FAC] =	sst s8  }
0x11: {  	[smem:$0x3FAD] =	sst s9;
	s0 =	simm.s32 @!p0 $0x0  }
0x12: {  	s1 =	sld [smem:$0x3F93];
	s0 =	simm.s32 @p0 $0x1  }
0x13: {  	[smem:$0x3FAE] =	sst s0;
	s0 =	simm.s32 @!p1 $0x0  }
0x14: {  	s2 =	sld [smem:$0x3F92];
	s0 =	simm.s32 @p1 $0x1  }
0x15: {  	[smem:$0x3FAF] =	sst s0;
	s0 =	simm.s32 @!p2 $0x0  }
0x16: {  	s3 =	sld [smem:$0x3FDB];
	s0 =	simm.s32 @p2 $0x1  }
0x17: {  	s4 =	simm.s32 $0x1BF5;
	[smem:$0x3FB1] =	sst s0  }
0x18: {  	s0 =	sld [smem:$0x3F94];
	_ =	swait.ge [sflag:s4], $0x0  }
0x19: {  	s7 =	sld [smem:$0x3F95]  }
0x1a: {  	s8 =	sadd.s32 $0xFFFFE003, lr  }
0x1b: {  	s9 =	sadd.s32 $0xFFFFFEF7, lr;
	s5 =	simm.s32 $0xFFFFFFFF;
	p2 =	slt.u32 s8, $0xFFFFF086  }
0x1c: {  	p1 =	slt.u32 s9, $0xF7A;
	s5 =	simm.s32 @!p2 $0x0  }
0x1d: {  	s5 =	simm.s32 @p1 $0x1;
	p0 =	seq.s32 s7, s2  }
0x1e: {  	s7 =	smul.u32 @!p0 $0xF7A, s2;
	p2 =	seq.s32 @!p0 s5, $0x0  }
0x1f: {  	s9 =	smul.u32 $0xF7A, s1;
	s8 =	simm.s32 @!p0 $0x1BF5;
	p2 =	por !p2, p0  }
0x20: {  	[sflag:s8] =	ssyncset.s32 @!p0 $0xFFFFF086;
	s6 =	sadd.s32 @!p0 s3, s7;
	s7 =	simm.s32 @!p0 $0x108  }
0x21: {  	s3 =	sadd.s32 s3, s9;
	s6 =	sadd.s32 @!p0 $0x88, s6;
	s7 =	simm.s32 @p2 $0x1082  }
0x22: {  	[simem:s7], [sflag:s8] =	dma.local @!p0 [hbm:s6], $0xF7A  }
0x23: {  	s9 =	sor.u32 $0xD0000000, s2;
	s6 =	simm.s32 $0x108;
	_ =	swait.ge @!p0 [sflag:s8], $0x0  }
0x24: {  	s3 =	sadd.s32 $0x88, s3;
	s6 =	simm.s32 @!p1 $0x1082;
	[sflag:s4] =	ssyncset.s32 $0xFFFFF086  }
0x25: {  	[simem:s6], [sflag:s4] =	dma.local [hbm:s3], $0xF7A  }
0x26: {  	[smem:$0x3F95] =	sst s1;
	(tag) =	ssettag s2;
	_ =	strace s9  }
0x27: {  	s1 =	sld [smem:$0x3FA5]  }
0x28: {  	s2 =	sld [smem:$0x3FA6]  }
0x29: {  	s4 =	sld [smem:$0x3FA8]  }
0x2a: {  	p0 =	seq.s32 s5, $0x0;
	s5 =	sld [smem:$0x3FA9]  }
0x2b: {  	s6 =	sld [smem:$0x3FAA]  }
0x2c: {  	s7 =	sld [smem:$0x3FAB]  }
0x2d: {  	s3 =	simm.s32 $0x108;
	s8 =	sld [smem:$0x3FAC]  }
0x2e: {  	s3 =	simm.s32 @!p0 $0x1082;
	s9 =	sld [smem:$0x3FAD]  }
0x2f: {  	lr =	sadd.s32 s0, s3;
	s0 =	sld [smem:$0x3FA4]  }
0x30: {  	s3 =	sld [smem:$0x3FA7]  }
0x31: {  	[smem:$0x3FB0] =	sst s10  }
0x32: {  	s10 =	sld [smem:$0x3FAE];
	_ =	sdelay $0x3  }
0x33: {  	p0 =	seq.s32 s10, $0x1;
	s10 =	sld [smem:$0x3FB0];
	_ =	sdelay $0x3  }
0x34: {  	[smem:$0x3FB0] =	sst s10  }
0x35: {  	s10 =	sld [smem:$0x3FAF];
	_ =	sdelay $0x3  }
0x36: {  	p1 =	seq.s32 s10, $0x1;
	s10 =	sld [smem:$0x3FB0];
	_ =	sdelay $0x3  }
0x37: {  	[smem:$0x3FB0] =	sst s10  }
0x38: {  	s10 =	sld [smem:$0x3FB1]  }
0x39: {  	_ = 	snop;
	(pc) =	sbr.ind lr, $3  }
0x3a: {  	_ = 	snop  }
0x3b: {  	_ = 	snop  }
0x3c: {  	p2 =	seq.s32 s10, $0x1;
	s10 =	sld [smem:$0x3FB0]  }
0x3d: {  	_ =	shalt  }
0x3e: {  	_ =	shalt  }
0x3f: {  	_ =	shalt  }
0x40: {  	_ =	shalt  }
0x41: {  	_ =	shalt  }
0x42: {  	_ =	shalt  }
0x43: {  	_ =	shalt  }
0x44: {  	_ =	shalt  }
0x45: {  	_ =	shalt  }
0x46: {  	_ =	shalt  }
0x47: {  	_ =	shalt  }
0x48: {  	_ =	shalt  }
0x49: {  	_ =	shalt  }
0x4a: {  	_ =	shalt  }
0x4b: {  	_ =	shalt  }
0x4c: {  	_ =	shalt  }
0x4d: {  	_ =	shalt  }
0x4e: {  	_ =	shalt  }
0x4f: {  	_ =	shalt  }
0x50: {  	_ =	shalt  }
0x51: {  	_ =	shalt  }
0x52: {  	_ =	shalt  }
0x53: {  	_ =	shalt  }
0x54: {  	_ =	shalt  }
0x55: {  	_ =	shalt  }
0x56: {  	_ =	shalt  }
0x57: {  	_ =	shalt  }
0x58: {  	_ =	shalt  }
0x59: {  	_ =	shalt  }
0x5a: {  	_ =	shalt  }
0x5b: {  	_ =	shalt  }
0x5c: {  	_ =	shalt  }
0x5d: {  	_ =	shalt  }
0x5e: {  	_ =	shalt  }
0x5f: {  	_ =	shalt  }
0x60: {  	_ =	shalt  }
0x61: {  	_ =	shalt  }
0x62: {  	_ =	shalt  }
0x63: {  	_ =	shalt  }
0x64: {  	_ =	shalt  }
0x65: {  	_ =	shalt  }
0x66: {  	_ =	shalt  }
0x67: {  	_ =	shalt  }
0x68: {  	_ =	shalt  }
0x69: {  	_ =	shalt  }
0x6a: {  	_ =	shalt  }
0x6b: {  	_ =	shalt  }
0x6c: {  	_ =	shalt  }
0x6d: {  	_ =	shalt  }
0x6e: {  	_ =	shalt  }
0x6f: {  	_ =	shalt  }
0x70: {  	_ =	shalt  }
0x71: {  	_ =	shalt  }
0x72: {  	_ =	shalt  }
0x73: {  	_ =	shalt  }
0x74: {  	_ =	shalt  }
0x75: {  	_ =	shalt  }
0x76: {  	_ =	shalt  }
0x77: {  	_ =	shalt  }
0x78: {  	_ =	shalt  }
0x79: {  	_ =	shalt  }
0x7a: {  	_ =	shalt  }
0x7b: {  	_ =	shalt  }
0x7c: {  	_ =	shalt  }
0x7d: {  	_ =	shalt  }
0x7e: {  	_ =	shalt  }
0x7f: {  	_ =	shalt  }
0x80: {  	_ =	shalt  }
0x81: {  	_ =	shalt  }
0x82: {  	_ =	shalt  }
0x83: {  	_ =	shalt  }
0x84: {  	_ =	shalt  }
0x85: {  	_ =	shalt  }
0x86: {  	_ =	shalt  }
0x87: {  	_ =	shalt  }
.Lfunc_end0:
.L_simem_size_0:
called_computation_lowered:
.L_overlay_start_0:
0x88: {  	s2 =	sld [smem:$0x3FD9]  }
0x89: {  	s3 =	sld [smem:$0x3FFE];
	_ =	sdelay $0x1  }
0x8a: {  	s1 =	srdreg.scid  }
0x8b: {  	s0 =	sand.u32 $0x1, s1  }
0x8c: {  	s17 =	sshll.u32 s0, $0xA;
	s2 =	sadd.s32 s3, s2  }
0x8d: {  	s2 =	sadd.s32 s2, s17  }
0x8e: {  	[smem:$0x3FBC] =	sst s2  }
0x8f: {  	_ = 	snop  }
0x90: {  	s2 =	sld [smem:$0x3FC9]  }
0x91: {  	s18 =	sld [smem:$0x3FD0];
	(tm) =	ssettm $0x1  }
0x92: {  	s4 =	sld [smem:$0x3FFB];
	_ =	sdelay $0x3  }
0x93: {  	_ =	strace s4  }
0x94: {  	s4 =	sld [smem:$0x3FFC];
	_ =	sdelay $0x3  }
0x95: {  	_ =	strace s4  }
0x96: {  	s4 =	sld [smem:$0x3FFD];
	_ =	sdelay $0x3  }
0x97: {  	_ =	strace s4  }
0x98: {  	_ =	strace $0x8FFFFFFF  }
0x99: {  	s19 =	sld [smem:$0x3FDB];
	_ =	sdelay $0x1  }
0x9a: {  	s5 =	simm.s32 $_scs_section_size  }
0x9b: {  	s6 =	simm.s32 $_size__tile_overlayer_lowered;
	s7 =	simm.s32 $_tile_overlayer_lowered  }
0x9c: {  	s22 =	simm.s32 $0x1BFF;
	s21 =	sshll.u32 s7, $0x1;
	s4 =	sadd.s32 s5, s19  }
0x9d: {  	s8 =	simm.s32 $0x0;
	s20 =	sshll.u32 s6, $0x1;
	s6 =	sadd.s32 s21, s4  }
0x9e: {  	[timem:s8], [sflag:s22] =	dma.local [hbm:s6], s20  }
0x9f: {  	_ =	swait.ge [sflag:s22], s20  }
0xa0: {  	s5 =	ssub.s32 $0x0, s20;
	[sflag:s22] =	ssyncset.done $0x0  }
0xa1: {  	[sflag:s22] =	ssyncadd.s32 s5;
	_ =	sdelay $0x1  }
0xa2: {  	s23 =	simm.s32 $0x1B8B  }
0xa3: {  	_ =	swait.ge [sflag:s23], $0x1  }
0xa4: {  	[sflag:s23] =	ssyncset.done $0x0  }
0xa5: {  	s25 =	simm.s32 $0x1B8E;
	s24 =	sld [smem:$0x3FFE];
	[sflag:s23] =	ssyncadd.s32 $0xFFFFFFFF  }
0xa6: {  	s26 =	simm.s32 $execute0_lowered;
	[smem:$0x3FD2] =	sst s25  }
0xa7: {  	s6 =	sshll.u32 s26, $0x1;
	_ =	strace $0x80000046;
	[dreg:$0x1] =	wrdreg $0xFFFFFFFF  }
0xa8: {  	s28 =	simm.s32 $_size_execute0_lowered;
	s4 =	sadd.s32 s4, s6;
	[dreg:$0x0] =	wrdreg $0x0  }
0xa9: {  	s6 =	sshll.u32 s28, $0x1;
	[dreg:$0x2] =	wrdreg s4  }
0xaa: {  	[dreg:$0x3] =	wrdreg s6  }
0xab: {  	[dreg:$0x4] =	wrdreg $0xC0  }
0xac: {  	_ =	task [dreg:s8], $0x5FFFF  }
0xad: {  	[dreg:$0x1] =	wrdreg $0xFFFFFFFF  }
0xae: {  	[dreg:$0x0] =	wrdreg $0x60  }
0xaf: {  	[dreg:$0x2] =	wrdreg s2  }
0xb0: {  	[dreg:$0x3] =	wrdreg s18  }
0xb1: {  	[dreg:$0x4] =	wrdreg s24  }
0xb2: {  	[dreg:$0x5] =	wrdreg $0x0  }
0xb3: {  	[dreg:$0x6] =	wrdreg $0x140000  }
0xb4: {  	[dreg:$0x7] =	wrdreg $0x9  }
0xb5: {  	_ =	task.clear_ibuf [dreg:s8], $0x8FFFF;
	_ =	strace $0x90000046  }
0xb6: {  	s29 =	simm.s32 $0x9;
	_ =	strace $0x80000048  }
0xb7: {  	_ =	swait.ge [sflag:s29], $0x1  }
0xb8: {  	[sflag:s29] =	ssyncadd.s32 $0xFFFFFFFF  }
0xb9: {  	_ =	strace $0x90000048  }
0xba: {  	_ =	sfence  }
0xbb: {  	s30 =	sld [smem:$0x0];
	_ =	sdelay $0x2  }
0xbc: {  	s31 =	sshll.u32 s1, $0xD;
	s1 =	sshrl.u32 s1, $0x2  }
0xbd: {  	s3 =	sand.u32 $0x4000, s31;
	s1 =	sadd.s32 s1, s30  }
0xbe: {  	s0 =	sor.u32 s3, s0;
	s1 =	sshll.u32 s1, $0x11  }
0xbf: {  	s0 =	sor.u32 s1, s0  }
0xc0: {  	s0 =	sadd.s32 $0x8F2B, s0  }
0xc1: {  	[sflag:s0] =	ssyncadd.remote.s32 $0x1  }
0xc2: {  	_ =	sfence.sel $0xFFFF  }
0xc3: {  	[dreg:$0x0] =	wrdreg $0xFFFFFFFF;
	(pc) =	sbr.abs _section_cstart, $3  }
0xc4: {  	[dreg:$0x1] =	wrdreg $0xFFFFFFFF  }
0xc5: {  	_ =	task.clear_ibuf [dreg:s8], $0x2FFFF;
	_ =	strace $0x9FFFFFFF  }
0xc6: {  	(tm) =	ssettm $0x7FFFFFFF  }
0xc7: {  	_ =	shalt  }
tec
execute0_lowered:
.L_overlay_start_1:
0x0: {  	(tag) =	ssettag $0x1  }
0x1: {  	s0 =	rddreg [dreg:$0x0]  }
0x2: {  	s1 =	rddreg [dreg:$0x1]  }
0x3: {  	s2 =	rddreg [dreg:$0x2];
	s4 =	srdreg.scid  }
0x4: {  	s3 =	rddreg [dreg:$0x3];
	s12 =	stileid.u32;
	s5 =	simm.s32 $0x0  }
0x5: {  	s28 =	simm.s32 $0x1;
	s29 =	simm.s32 $0x1EA80;
	s8 =	smul.u32 $0x14000, s12  }
0x6: {  	s30 =	simm.s32 $0x3;
	s31 =	simm.s32 $0x5;
	s9 =	smul.u32 $0x280, s12  }
0x7: {  	s6 =	sand.u32 $0x1, s4;
	s4 =	rddreg [dreg:$0x4];
	s18 =	smul.u32 $0x50000, s12  }
0x8: {  	[smem:$0x7FF] =	sst s5;
	s15 =	sadd.s32 $0x1E00, s2;
	s7 =	smul.u32 $0x140000, s6  }
0x9: {  	s10 =	smul.u32 $0x2800, s6;
	_ =	strace $0x80000047;
	s11 =	ssub.s32 $0x2, s6  }
0xa: {  	s19 =	sshll.u32 s6, $0x4;
	s20 =	sshrl.u32 s18, $0x2;
	s21 =	sshrl.u32 s11, $0x1  }
0xb: {  	s7 =	sadd.s32 s8, s7;
	s17 =	sadd.s32 s9, s10;
	s6 =	sadd.s32 s20, s3  }
0xc: {  	s10 =	ssub.s32 s11, s21;
	s11 =	sadd.s32 s9, s4;
	s20 =	simm.s32 $0x7  }
0xd: {  	s21 =	simm.s32 $0x4;
	s7 =	sshrl.u32 s7, $0x3;
	s22 =	sadd.s32 $0x4000, s6  }
0xe: {  	s8 =	sshrl.u32 s17, $0x3;
	s23 =	sadd.s32 $0x8000, s6;
	[dreg:$0x6] =	wrdreg s22  }
0xf: {  	s24 =	sadd.s32 $0xC000, s6;
	s25 =	sadd.s32 $0x10000, s6;
	[dreg:$0x7] =	wrdreg s23  }
0x10: {  	s18 =	smax.u32 s10, $0x1;
	s7 =	sadd.s32 s7, s2;
	[dreg:$0x8] =	wrdreg s24  }
0x11: {  	s2 =	sadd.s32 s8, s2;
	s8 =	sor.u32 s12, s19;
	[dreg:$0x9] =	wrdreg s25  }
0x12: {  	s19 =	simm.s32 $0x14280;
	s22 =	simm.s32 $0x1C280;
	s23 =	simm.s32 $0x1D680  }
0x13: {  	s24 =	simm.s32 $0x80;
	s25 =	simm.s32 $0x1C300;
	s12 =	smul.u32 $0x2800, s8  }
0x14: {  	s8 =	smul.u32 $0x500, s8;
	s16 =	sadd.s32 $0xC800, s7;
	s17 =	sadd.s32 $0xBE00, s2  }
0x15: {  	s2 =	simm.s32 $0x2;
	s7 =	simm.s32 $0x1E980;
	s12 =	sshrl.u32 s12, $0x3  }
0x16: {  	s13 =	sadd.s32 s15, s8;
	s26 =	sadd.s32 $0x280, s12;
	s12 =	sadd.s32 s1, s12  }
0x17: {  	s8 =	simm.s32 $0x1EA00;
	[dreg:$0xa] =	wrdreg s12;
	s14 =	sadd.s32 s1, s26  }
0x18: {  	v0 =	vimm.f32 $0.0e+00;
	v1 =	vimm.f32 $1.000000000e+00;
	s15 =	sadd.s32 s15, s26;
	s26 =	simm.s32 $0x18280;
	s1 =	simm.s32 $0x6  }
.LBB2_1:
0x19: {  	s9 =	simm.s32 $0x0;
	s10 =	simm.s32 $0x200  }
.LBB2_2:
0x1a: {  	p0 =	sne.s32 s10, $0xFE00;
	[tilespmem:s9+$0x142F0] =	vst v0  }
0x1b: {  	[tilespmem:s9+$0x14280] =	vst v0  }
0x1c: {  	[tilespmem:s9+$0x14290] =	vst v0  }
.Ltmp0:
0x1d: {  	[tilespmem:s9+$0x142A0] =	vst v0;
	(pc) =	sbr.rel @p0 .LBB2_2-.Ltmp0, $4  }
0x1e: {  	[tilespmem:s9+$0x142B0] =	vst v0  }
0x1f: {  	[tilespmem:s9+$0x142C0] =	vst v0  }
0x20: {  	[tilespmem:s9+$0x142D0] =	vst v0  }
0x21: {  	[tilespmem:s9+$0x142E0] =	vst v0;
	s9 =	sshra.s32 s10, $0x2;
	s10 =	sadd.s32 $0x200, s10  }
0x22: {  	[tilespmem:s9+$0x142F0] =	vst v0  }
0x23: {  	[tilespmem:s9+$0x14280] =	vst v0  }
0x24: {  	[tilespmem:s9+$0x14290] =	vst v0  }
0x25: {  	[tilespmem:s9+$0x142A0] =	vst v0  }
0x26: {  	[tilespmem:s9+$0x142B0] =	vst v0  }
0x27: {  	[tilespmem:s9+$0x142C0] =	vst v0  }
0x28: {  	[tilespmem:s9+$0x142D0] =	vst v0  }
0x29: {  	[tilespmem:s9+$0x142E0] =	vst v0  }
0x2a: {  	[tilespmem:$0x1EB00] =	vst v0  }
0x2b: {  	[tilespmem:$0x1EB10] =	vst v0  }
0x2c: {  	[tilespmem:$0x1EB20] =	vst v0  }
0x2d: {  	[tilespmem:$0x1EB30] =	vst v0  }
0x2e: {  	[tilespmem:$0x1EB40] =	vst v0  }
0x2f: {  	[tilespmem:$0x1EB50] =	vst v0  }
0x30: {  	[tilespmem:$0x1EB60] =	vst v0  }
0x31: {  	[tilespmem:$0x1EB70] =	vst v0  }
0x32: {  	[tilespmem:$0x1EB80] =	vst v0  }
0x33: {  	[tilespmem:$0x1EB90] =	vst v0  }
0x34: {  	[tilespmem:$0x1EBA0] =	vst v0  }
0x35: {  	[tilespmem:$0x1EBB0] =	vst v0  }
0x36: {  	[tilespmem:$0x1EBC0] =	vst v0  }
0x37: {  	[tilespmem:$0x1EBD0] =	vst v0  }
0x38: {  	[tilespmem:$0x1EBE0] =	vst v0  }
0x39: {  	[tilespmem:$0x1EBF0] =	vst v0  }
0x3a: {  	[tilespmem:$0x1EC00] =	vst v0  }
0x3b: {  	[tilespmem:$0x1EC10] =	vst v0  }
0x3c: {  	[tilespmem:$0x1EC20] =	vst v0  }
0x3d: {  	[tilespmem:$0x1EC30] =	vst v0  }
0x3e: {  	[tilespmem:$0x1EC40] =	vst v0  }
0x3f: {  	[tilespmem:$0x1EC50] =	vst v0  }
0x40: {  	[tilespmem:$0x1EC60] =	vst v0  }
0x41: {  	[tilespmem:$0x1EC70] =	vst v0  }
0x42: {  	[tilespmem:$0x1EC80] =	vst v0  }
0x43: {  	[tilespmem:$0x1EC90] =	vst v0  }
0x44: {  	[tilespmem:$0x1ECA0] =	vst v0  }
0x45: {  	[tilespmem:$0x1ECB0] =	vst v0  }
0x46: {  	[tilespmem:$0x1ECC0] =	vst v0  }
0x47: {  	[tilespmem:$0x1ECD0] =	vst v0  }
0x48: {  	[tilespmem:$0x1ECE0] =	vst v0  }
0x49: {  	[tilespmem:$0x1ECF0] =	vst v0  }
0x4a: {  	[tilespmem:$0x1ED00] =	vst v0  }
0x4b: {  	[tilespmem:$0x1ED10] =	vst v0  }
0x4c: {  	[tilespmem:$0x1ED20] =	vst v0  }
0x4d: {  	[tilespmem:$0x1ED30] =	vst v0  }
0x4e: {  	[tilespmem:$0x1ED40] =	vst v0  }
0x4f: {  	[tilespmem:$0x1ED50] =	vst v0  }
0x50: {  	[tilespmem:$0x1ED60] =	vst v0  }
0x51: {  	[tilespmem:$0x1ED70] =	vst v0  }
0x52: {  	[tilespmem:$0x1EA80] =	vst v1  }
0x53: {  	[tilespmem:$0x1EA90] =	vst v1  }
0x54: {  	[tilespmem:$0x1EAA0] =	vst v1  }
0x55: {  	[tilespmem:$0x1EAB0] =	vst v1  }
0x56: {  	[tilespmem:$0x1EAC0] =	vst v1  }
0x57: {  	[tilespmem:$0x1EAD0] =	vst v1  }
0x58: {  	[tilespmem:$0x1EAE0] =	vst v1  }
0x59: {  	[tilespmem:$0x1EAF0] =	vst v1  }
0x5a: {  	[spmem:s6] =	stream.linear.scatter [tilespmem:s19], [sflag:$0x7], $0x4000, $0x38;
	[tilespmem:$0x1ED80] =	vst v63  }
0x5b: {  	_ =	swait.ge [sflag:s20], $0x4000  }
0x5c: {  	[sflag:s20] =	ssyncset.done $0x0  }
0x5d: {  	s10 =	rddreg [dreg:$0x6];
	[sflag:s20] =	ssyncadd.s32 $0xFFFFC000  }
0x5e: {  	[spmem:s10] =	stream.linear.scatter [tilespmem:s19], [sflag:$0x7], $0x4000, $0x38;
	[tilespmem:$0x1ED80] =	vst v63  }
0x5f: {  	_ =	swait.ge [sflag:s20], $0x4000  }
0x60: {  	[sflag:s20] =	ssyncset.done $0x0  }
0x61: {  	s12 =	rddreg [dreg:$0x7];
	[sflag:s20] =	ssyncadd.s32 $0xFFFFC000  }
0x62: {  	[spmem:s12] =	stream.linear.scatter [tilespmem:s19], [sflag:$0x7], $0x4000, $0x38;
	[tilespmem:$0x1ED80] =	vst v63  }
0x63: {  	_ =	swait.ge [sflag:s20], $0x4000  }
0x64: {  	[sflag:s20] =	ssyncset.done $0x0  }
0x65: {  	s10 =	rddreg [dreg:$0x8];
	[sflag:s20] =	ssyncadd.s32 $0xFFFFC000  }
0x66: {  	[spmem:s10] =	stream.linear.scatter [tilespmem:s19], [sflag:$0x7], $0x4000, $0x38;
	[tilespmem:$0x1ED80] =	vst v63  }
0x67: {  	_ =	swait.ge [sflag:s20], $0x4000  }
0x68: {  	[sflag:s20] =	ssyncset.done $0x0  }
0x69: {  	s12 =	rddreg [dreg:$0x9];
	[sflag:s20] =	ssyncadd.s32 $0xFFFFC000  }
0x6a: {  	[spmem:s12] =	stream.linear.scatter [tilespmem:s19], [sflag:$0x7], $0x4000, $0x38;
	[tilespmem:$0x1ED80] =	vst v63  }
0x6b: {  	_ =	swait.ge [sflag:s20], $0x4000  }
0x6c: {  	[sflag:s20] =	ssyncset.done $0x0  }
0x6d: {  	s10 =	simm.s32 $0x1EB00;
	[sflag:s20] =	ssyncadd.s32 $0xFFFFC000  }
0x6e: {  	[spmem:s11] =	stream.linear.scatter [tilespmem:s10], [sflag:$0x7], $0x280, $0x38;
	[tilespmem:$0x1ED80] =	vst v63  }
0x6f: {  	_ =	swait.ge [sflag:s20], $0x280  }
0x70: {  	[sflag:s20] =	ssyncset.done $0x0  }
0x71: {  	[sflag:s20] =	ssyncadd.s32 $0xFFFFFD80  }
0x72: {  	[bflag:$0x0] =	sbarrier.arrive $0xFFFF  }
0x73: {  	s12 =	simm.s32 $0x0;
	s10 =	rddreg [dreg:$0xa]  }
0x74: {  	[tilespmem:s22], [sflag:$0x7] =	stream.linear.gather [hbm4b:s10+s12], $0x1400, $0x38;
	[tilespmem:$0x1ED80] =	vst v63  }
0x75: {  	_ =	swait.ge [sflag:s20], $0x1400  }
0x76: {  	[sflag:s20] =	ssyncset.done $0x0  }
0x77: {  	[sflag:s20] =	ssyncadd.s32 $0xFFFFEC00  }
0x78: {  	[tilespmem:s23], [sflag:$0x7] =	stream.linear.gather [hbm4b:s13+s12], $0x1400, $0x38;
	[tilespmem:$0x1ED80] =	vst v63  }
0x79: {  	_ =	swait.ge [sflag:s20], $0x1400  }
0x7a: {  	[sflag:s20] =	ssyncset.done $0x0  }
0x7b: {  	[sflag:s20] =	ssyncadd.s32 $0xFFFFEC00  }
0x7c: {  	[tilespmem:s19], [sflag:$0x1] =	stream.indirect.gather [hbm4b:s0+s24], $0x80, s22, s24, $0xb8;
	[tilespmem:$0x1ED80] =	vst v63  }
0x7d: {  	_ = 	snop  }
0x7e: {  	[tilespmem:s26], [sflag:$0x2] =	stream.indirect.gather [hbm4b:s0+s24], $0x80, s25, s24, $0xb8;
	[tilespmem:$0x1ED80] =	vst v63  }
0x7f: {  	_ =	swait.ge [sflag:s28], $0x4000  }
0x80: {  	[sflag:s28] =	ssyncset.done $0x0  }
0x81: {  	s10 =	simm.s32 $0x1D680;
	[sflag:s28] =	ssyncadd.s32 $0xFFFFC000  }
0x82: {  	[spmem:s3] =	stream.indirect.scatter.add.f32 [tilespmem:s19], [sflag:$0x3], $0x80, s10, s24, $0xb8;
	[tilespmem:$0x1ED80] =	vst v63  }
0x83: {  	_ = 	snop  }
0x84: {  	[spmem:s4] =	stream.indirect.scatter.add.f32 [tilespmem:s29], [sflag:$0x5], $0x1, s10, s24, $0xb8;
	[tilespmem:$0x1ED80] =	vst v63  }
0x85: {  	_ =	swait.ge [sflag:s30], $0x4000  }
0x86: {  	[sflag:s30] =	ssyncset.done $0x0  }
0x87: {  	s12 =	simm.s32 $0x1C380;
	[sflag:s30] =	ssyncadd.s32 $0xFFFFC000  }
0x88: {  	[tilespmem:s19], [sflag:$0x1] =	stream.indirect.gather [hbm4b:s0+s24], $0x80, s12, s24, $0xb8;
	[tilespmem:$0x1ED80] =	vst v63  }
0x89: {  	_ =	swait.ge [sflag:s31], $0x80  }
0x8a: {  	[sflag:s31] =	ssyncset.done $0x0  }
0x8b: {  	[sflag:s31] =	ssyncadd.s32 $0xFFFFFF80  }
0x8c: {  	_ =	swait.ge [sflag:s2], $0x4000  }
0x8d: {  	[sflag:s2] =	ssyncset.done $0x0  }
0x8e: {  	s10 =	simm.s32 $0x1D700;
	[sflag:s2] =	ssyncadd.s32 $0xFFFFC000  }
0x8f: {  	[spmem:s3] =	stream.indirect.scatter.add.f32 [tilespmem:s26], [sflag:$0x4], $0x80, s10, s24, $0xb8;
	[tilespmem:$0x1ED80] =	vst v63  }
0x90: {  	_ = 	snop  }
0x91: {  	[spmem:s4] =	stream.indirect.scatter.add.f32 [tilespmem:s29], [sflag:$0x6], $0x1, s10, s24, $0xb8;
	[tilespmem:$0x1ED80] =	vst v63  }
0x92: {  	_ =	swait.ge [sflag:s21], $0x4000  }
0x93: {  	[sflag:s21] =	ssyncset.done $0x0  }
0x94: {  	s12 =	simm.s32 $0x1C400;
	[sflag:s21] =	ssyncadd.s32 $0xFFFFC000  }
0x95: {  	[tilespmem:s26], [sflag:$0x2] =	stream.indirect.gather [hbm4b:s0+s24], $0x80, s12, s24, $0xb8;
	[tilespmem:$0x1ED80] =	vst v63  }
0x96: {  	_ =	swait.ge [sflag:s1], $0x80  }
0x97: {  	s9 =	simm.s32 $0x400;
	[sflag:s1] =	ssyncset.done $0x0  }
.LBB2_4:
0x98: {  	p0 =	sne.s32 s9, $0x4800  }
0x99: {  	[sflag:s1] =	ssyncadd.s32 $0xFFFFFF80;
	s10 =	smov.u32 s9;
	s9 =	sadd.s32 $0x400, s9  }
0x9a: {  	_ =	swait.ge [sflag:s28], $0x4000  }
0x9b: {  	s10 =	sshra.s32 s10, $0x2;
	[sflag:s28] =	ssyncset.done $0x0  }
0x9c: {  	s12 =	sadd.s32 $0x1D680, s10;
	[sflag:s28] =	ssyncadd.s32 $0xFFFFC000  }
0x9d: {  	[spmem:s3] =	stream.indirect.scatter.add.f32 [tilespmem:s19], [sflag:$0x3], $0x80, s12, s24, $0xb8;
	[tilespmem:$0x1ED80] =	vst v63  }
0x9e: {  	_ = 	snop  }
0x9f: {  	[spmem:s4] =	stream.indirect.scatter.add.f32 [tilespmem:s29], [sflag:$0x5], $0x1, s12, s24, $0xb8;
	[tilespmem:$0x1ED80] =	vst v63  }
0xa0: {  	_ =	swait.ge [sflag:s30], $0x4000  }
0xa1: {  	[sflag:s30] =	ssyncset.done $0x0  }
0xa2: {  	s12 =	sadd.s32 $0x1C380, s10;
	[sflag:s30] =	ssyncadd.s32 $0xFFFFC000  }
0xa3: {  	[tilespmem:s19], [sflag:$0x1] =	stream.indirect.gather [hbm4b:s0+s24], $0x80, s12, s24, $0xb8;
	[tilespmem:$0x1ED80] =	vst v63  }
0xa4: {  	_ =	swait.ge [sflag:s31], $0x80  }
0xa5: {  	[sflag:s31] =	ssyncset.done $0x0  }
0xa6: {  	[sflag:s31] =	ssyncadd.s32 $0xFFFFFF80  }
0xa7: {  	_ =	swait.ge [sflag:s2], $0x4000  }
0xa8: {  	[sflag:s2] =	ssyncset.done $0x0  }
0xa9: {  	s12 =	sadd.s32 $0x1D700, s10;
	[sflag:s2] =	ssyncadd.s32 $0xFFFFC000  }
0xaa: {  	[spmem:s3] =	stream.indirect.scatter.add.f32 [tilespmem:s26], [sflag:$0x4], $0x80, s12, s24, $0xb8;
	[tilespmem:$0x1ED80] =	vst v63  }
0xab: {  	_ = 	snop  }
0xac: {  	[spmem:s4] =	stream.indirect.scatter.add.f32 [tilespmem:s29], [sflag:$0x6], $0x1, s12, s24, $0xb8;
	[tilespmem:$0x1ED80] =	vst v63  }
0xad: {  	_ =	swait.ge [sflag:s21], $0x4000  }
.Ltmp1:
0xae: {  	[sflag:s21] =	ssyncset.done $0x0;
	(pc) =	sbr.rel @p0 .LBB2_4-.Ltmp1, $4  }
0xaf: {  	s10 =	sadd.s32 $0x1C400, s10;
	[sflag:s21] =	ssyncadd.s32 $0xFFFFC000  }
0xb0: {  	[tilespmem:s26], [sflag:$0x2] =	stream.indirect.gather [hbm4b:s0+s24], $0x80, s10, s24, $0xb8;
	[tilespmem:$0x1ED80] =	vst v63  }
0xb1: {  	_ =	swait.ge [sflag:s1], $0x80  }
0xb2: {  	[sflag:s1] =	ssyncset.done $0x0  }
0xb3: {  	[sflag:s1] =	ssyncadd.s32 $0xFFFFFF80  }
0xb4: {  	_ =	swait.ge [sflag:s28], $0x4000  }
0xb5: {  	[sflag:s28] =	ssyncset.done $0x0  }
0xb6: {  	[sflag:s28] =	ssyncadd.s32 $0xFFFFC000  }
0xb7: {  	[spmem:s3] =	stream.indirect.scatter.add.f32 [tilespmem:s19], [sflag:$0x3], $0x80, s7, s24, $0xb8;
	[tilespmem:$0x1ED80] =	vst v63  }
0xb8: {  	_ = 	snop  }
0xb9: {  	[spmem:s4] =	stream.indirect.scatter.add.f32 [tilespmem:s29], [sflag:$0x5], $0x1, s7, s24, $0xb8;
	[tilespmem:$0x1ED80] =	vst v63  }
0xba: {  	_ =	swait.ge [sflag:s30], $0x4000  }
0xbb: {  	[sflag:s30] =	ssyncset.done $0x0  }
0xbc: {  	[sflag:s30] =	ssyncadd.s32 $0xFFFFC000  }
0xbd: {  	_ =	swait.ge [sflag:s31], $0x80  }
0xbe: {  	[sflag:s31] =	ssyncset.done $0x0  }
0xbf: {  	[sflag:s31] =	ssyncadd.s32 $0xFFFFFF80  }
0xc0: {  	_ =	swait.ge [sflag:s2], $0x4000  }
0xc1: {  	[sflag:s2] =	ssyncset.done $0x0  }
0xc2: {  	[sflag:s2] =	ssyncadd.s32 $0xFFFFC000  }
0xc3: {  	[spmem:s3] =	stream.indirect.scatter.add.f32 [tilespmem:s26], [sflag:$0x4], $0x80, s8, s24, $0xb8;
	[tilespmem:$0x1ED80] =	vst v63  }
0xc4: {  	_ = 	snop  }
0xc5: {  	[spmem:s4] =	stream.indirect.scatter.add.f32 [tilespmem:s29], [sflag:$0x6], $0x1, s8, s24, $0xb8;
	[tilespmem:$0x1ED80] =	vst v63  }
0xc6: {  	_ =	swait.ge [sflag:s21], $0x4000  }
0xc7: {  	[sflag:s21] =	ssyncset.done $0x0  }
0xc8: {  	[sflag:s21] =	ssyncadd.s32 $0xFFFFC000  }
0xc9: {  	_ =	swait.ge [sflag:s1], $0x80  }
0xca: {  	[sflag:s1] =	ssyncset.done $0x0  }
0xcb: {  	s9 =	simm.s32 $0x0;
	[sflag:s1] =	ssyncadd.s32 $0xFFFFFF80  }
0xcc: {  	[tilespmem:s22], [sflag:$0x7] =	stream.linear.gather [hbm4b:s14+s9], $0x1400, $0x38;
	[tilespmem:$0x1ED80] =	vst v63  }
0xcd: {  	_ =	swait.ge [sflag:s20], $0x1400  }
0xce: {  	[sflag:s20] =	ssyncset.done $0x0  }
0xcf: {  	[sflag:s20] =	ssyncadd.s32 $0xFFFFEC00  }
0xd0: {  	[tilespmem:s23], [sflag:$0x7] =	stream.linear.gather [hbm4b:s15+s9], $0x1400, $0x38;
	[tilespmem:$0x1ED80] =	vst v63  }
0xd1: {  	_ =	swait.ge [sflag:s20], $0x1400  }
0xd2: {  	[sflag:s20] =	ssyncset.done $0x0  }
0xd3: {  	[sflag:s20] =	ssyncadd.s32 $0xFFFFEC00  }
0xd4: {  	[tilespmem:s19], [sflag:$0x1] =	stream.indirect.gather [hbm4b:s0+s24], $0x80, s22, s24, $0xb8;
	[tilespmem:$0x1ED80] =	vst v63  }
0xd5: {  	_ = 	snop  }
0xd6: {  	[tilespmem:s26], [sflag:$0x2] =	stream.indirect.gather [hbm4b:s0+s24], $0x80, s25, s24, $0xb8;
	[tilespmem:$0x1ED80] =	vst v63  }
0xd7: {  	_ =	swait.ge [sflag:s28], $0x4000  }
0xd8: {  	[sflag:s28] =	ssyncset.done $0x0  }
0xd9: {  	s10 =	simm.s32 $0x1D680;
	[sflag:s28] =	ssyncadd.s32 $0xFFFFC000  }
0xda: {  	[spmem:s3] =	stream.indirect.scatter.add.f32 [tilespmem:s19], [sflag:$0x3], $0x80, s10, s24, $0xb8;
	[tilespmem:$0x1ED80] =	vst v63  }
0xdb: {  	_ = 	snop  }
0xdc: {  	[spmem:s4] =	stream.indirect.scatter.add.f32 [tilespmem:s29], [sflag:$0x5], $0x1, s10, s24, $0xb8;
	[tilespmem:$0x1ED80] =	vst v63  }
0xdd: {  	_ =	swait.ge [sflag:s30], $0x4000  }
0xde: {  	[sflag:s30] =	ssyncset.done $0x0  }
0xdf: {  	s12 =	simm.s32 $0x1C380;
	[sflag:s30] =	ssyncadd.s32 $0xFFFFC000  }
0xe0: {  	[tilespmem:s19], [sflag:$0x1] =	stream.indirect.gather [hbm4b:s0+s24], $0x80, s12, s24, $0xb8;
	[tilespmem:$0x1ED80] =	vst v63  }
0xe1: {  	_ =	swait.ge [sflag:s31], $0x80  }
0xe2: {  	[sflag:s31] =	ssyncset.done $0x0  }
0xe3: {  	[sflag:s31] =	ssyncadd.s32 $0xFFFFFF80  }
0xe4: {  	_ =	swait.ge [sflag:s2], $0x4000  }
0xe5: {  	[sflag:s2] =	ssyncset.done $0x0  }
0xe6: {  	s10 =	simm.s32 $0x1D700;
	[sflag:s2] =	ssyncadd.s32 $0xFFFFC000  }
0xe7: {  	[spmem:s3] =	stream.indirect.scatter.add.f32 [tilespmem:s26], [sflag:$0x4], $0x80, s10, s24, $0xb8;
	[tilespmem:$0x1ED80] =	vst v63  }
0xe8: {  	_ = 	snop  }
0xe9: {  	[spmem:s4] =	stream.indirect.scatter.add.f32 [tilespmem:s29], [sflag:$0x6], $0x1, s10, s24, $0xb8;
	[tilespmem:$0x1ED80] =	vst v63  }
0xea: {  	_ =	swait.ge [sflag:s21], $0x4000  }
0xeb: {  	[sflag:s21] =	ssyncset.done $0x0  }
0xec: {  	s12 =	simm.s32 $0x1C400;
	[sflag:s21] =	ssyncadd.s32 $0xFFFFC000  }
0xed: {  	[tilespmem:s26], [sflag:$0x2] =	stream.indirect.gather [hbm4b:s0+s24], $0x80, s12, s24, $0xb8;
	[tilespmem:$0x1ED80] =	vst v63  }
0xee: {  	_ =	swait.ge [sflag:s1], $0x80  }
0xef: {  	s9 =	simm.s32 $0x400;
	[sflag:s1] =	ssyncset.done $0x0  }
.LBB2_6:
0xf0: {  	p0 =	sne.s32 s9, $0x4800  }
0xf1: {  	[sflag:s1] =	ssyncadd.s32 $0xFFFFFF80;
	s10 =	smov.u32 s9;
	s9 =	sadd.s32 $0x400, s9  }
0xf2: {  	_ =	swait.ge [sflag:s28], $0x4000  }
0xf3: {  	s10 =	sshra.s32 s10, $0x2;
	[sflag:s28] =	ssyncset.done $0x0  }
0xf4: {  	s12 =	sadd.s32 $0x1D680, s10;
	[sflag:s28] =	ssyncadd.s32 $0xFFFFC000  }
0xf5: {  	[spmem:s3] =	stream.indirect.scatter.add.f32 [tilespmem:s19], [sflag:$0x3], $0x80, s12, s24, $0xb8;
	[tilespmem:$0x1ED80] =	vst v63  }
0xf6: {  	_ = 	snop  }
0xf7: {  	[spmem:s4] =	stream.indirect.scatter.add.f32 [tilespmem:s29], [sflag:$0x5], $0x1, s12, s24, $0xb8;
	[tilespmem:$0x1ED80] =	vst v63  }
0xf8: {  	_ =	swait.ge [sflag:s30], $0x4000  }
0xf9: {  	[sflag:s30] =	ssyncset.done $0x0  }
0xfa: {  	s12 =	sadd.s32 $0x1C380, s10;
	[sflag:s30] =	ssyncadd.s32 $0xFFFFC000  }
0xfb: {  	[tilespmem:s19], [sflag:$0x1] =	stream.indirect.gather [hbm4b:s0+s24], $0x80, s12, s24, $0xb8;
	[tilespmem:$0x1ED80] =	vst v63  }
0xfc: {  	_ =	swait.ge [sflag:s31], $0x80  }
0xfd: {  	[sflag:s31] =	ssyncset.done $0x0  }
0xfe: {  	[sflag:s31] =	ssyncadd.s32 $0xFFFFFF80  }
0xff: {  	_ =	swait.ge [sflag:s2], $0x4000  }
0x100: {  	[sflag:s2] =	ssyncset.done $0x0  }
0x101: {  	s12 =	sadd.s32 $0x1D700, s10;
	[sflag:s2] =	ssyncadd.s32 $0xFFFFC000  }
0x102: {  	[spmem:s3] =	stream.indirect.scatter.add.f32 [tilespmem:s26], [sflag:$0x4], $0x80, s12, s24, $0xb8;
	[tilespmem:$0x1ED80] =	vst v63  }
0x103: {  	_ = 	snop  }
0x104: {  	[spmem:s4] =	stream.indirect.scatter.add.f32 [tilespmem:s29], [sflag:$0x6], $0x1, s12, s24, $0xb8;
	[tilespmem:$0x1ED80] =	vst v63  }
0x105: {  	_ =	swait.ge [sflag:s21], $0x4000  }
.Ltmp2:
0x106: {  	[sflag:s21] =	ssyncset.done $0x0;
	(pc) =	sbr.rel @p0 .LBB2_6-.Ltmp2, $4  }
0x107: {  	s10 =	sadd.s32 $0x1C400, s10;
	[sflag:s21] =	ssyncadd.s32 $0xFFFFC000  }
0x108: {  	[tilespmem:s26], [sflag:$0x2] =	stream.indirect.gather [hbm4b:s0+s24], $0x80, s10, s24, $0xb8;
	[tilespmem:$0x1ED80] =	vst v63  }
0x109: {  	_ =	swait.ge [sflag:s1], $0x80  }
0x10a: {  	[sflag:s1] =	ssyncset.done $0x0  }
0x10b: {  	[sflag:s1] =	ssyncadd.s32 $0xFFFFFF80  }
0x10c: {  	_ =	swait.ge [sflag:s28], $0x4000  }
0x10d: {  	[sflag:s28] =	ssyncset.done $0x0  }
0x10e: {  	[sflag:s28] =	ssyncadd.s32 $0xFFFFC000  }
0x10f: {  	[spmem:s3] =	stream.indirect.scatter.add.f32 [tilespmem:s19], [sflag:$0x3], $0x80, s7, s24, $0xb8;
	[tilespmem:$0x1ED80] =	vst v63  }
0x110: {  	_ = 	snop  }
0x111: {  	[spmem:s4] =	stream.indirect.scatter.add.f32 [tilespmem:s29], [sflag:$0x5], $0x1, s7, s24, $0xb8;
	[tilespmem:$0x1ED80] =	vst v63  }
0x112: {  	_ =	swait.ge [sflag:s30], $0x4000  }
0x113: {  	[sflag:s30] =	ssyncset.done $0x0  }
0x114: {  	[sflag:s30] =	ssyncadd.s32 $0xFFFFC000  }
0x115: {  	_ =	swait.ge [sflag:s31], $0x80  }
0x116: {  	[sflag:s31] =	ssyncset.done $0x0  }
0x117: {  	[sflag:s31] =	ssyncadd.s32 $0xFFFFFF80  }
0x118: {  	_ =	swait.ge [sflag:s2], $0x4000  }
0x119: {  	[sflag:s2] =	ssyncset.done $0x0  }
0x11a: {  	[sflag:s2] =	ssyncadd.s32 $0xFFFFC000  }
0x11b: {  	[spmem:s3] =	stream.indirect.scatter.add.f32 [tilespmem:s26], [sflag:$0x4], $0x80, s8, s24, $0xb8;
	[tilespmem:$0x1ED80] =	vst v63  }
0x11c: {  	_ = 	snop  }
0x11d: {  	[spmem:s4] =	stream.indirect.scatter.add.f32 [tilespmem:s29], [sflag:$0x6], $0x1, s8, s24, $0xb8;
	[tilespmem:$0x1ED80] =	vst v63  }
0x11e: {  	_ =	swait.ge [sflag:s21], $0x4000  }
0x11f: {  	[sflag:s21] =	ssyncset.done $0x0  }
0x120: {  	[sflag:s21] =	ssyncadd.s32 $0xFFFFC000  }
0x121: {  	_ =	swait.ge [sflag:s1], $0x80  }
0x122: {  	s9 =	stileid.u32;
	[sflag:s1] =	ssyncset.done $0x0  }
0x123: {  	s9 =	sshll.u32 s9, $0x6;
	[sflag:s1] =	ssyncadd.s32 $0xFFFFFF80  }
0x124: {  	s10 =	sshrl.u32 s6, $0x3;
	s9 =	sor.u32 $0x1C07, s9;
	[bflag:$0x0] =	sbarrier.arrive $0xFFFF  }
0x125: {  	[hbm:s16], [sflag:s9] =	dma.local [spmem:s10], $0x2800  }
0x126: {  	s5 =	sadd.s32 $0x1, s5;
	_ =	swait.ge [sflag:s20], $0x2800  }
0x127: {  	p0 =	sne.s32 s5, s18;
	[sflag:s20] =	ssyncset.done $0x0  }
.Ltmp3:
0x128: {  	s12 =	sshrl.u32 s11, $0x3;
	[sflag:s20] =	ssyncadd.s32 $0xFFFFD800;
	(pc) =	sbr.rel @p0 .LBB2_1-.Ltmp3, $4  }
0x129: {  	[hbm:s17], [sflag:s9] =	dma.local [spmem:s12], $0x50  }
0x12a: {  	_ =	swait.ge [sflag:s20], $0x50  }
0x12b: {  	[sflag:s20] =	ssyncset.done $0x0  }
0x12c: {  	[sflag:s20] =	ssyncadd.s32 $0xFFFFFFB0  }
0x12d: {  	_ =	sfence.sel $0x180000  }
0x12e: {  	[bflag:$0x0] =	sbarrier.arrive $0xFFFF  }
0x12f: {  	_ =	strace $0x90000047  }
0x130: {  	s0 =	stileid.u32;
	[bflag:$0x2] =	sbarrier.arrive $0xFFFF  }
0x131: {  	p0 =	sne.s32 s0, $0x0;
	s0 =	rddreg [dreg:$0x5]  }
0x132: {  	s0 =	sadd.s32 @!p0 $0x100000, s0  }
0x133: {  	[sflag:s0] =	ssyncadd.tile.s32 @!p0 $0x1;
	_ =	shalt  }
.Lfunc_end2:
_tile_overlayer_lowered:
.L_overlay_start_2:
0x134: {  	(tag) =	ssettag $0x2  }
0x135: {  	s0 =	rddreg [dreg:$0x0];
	s2 =	stileid.u32  }
0x136: {  	s1 =	rddreg [dreg:$0x1];
	p0 =	sne.s32 s2, $0x0  }
0x137: {  	s3 =	rddreg [dreg:$0x2];
	[bflag:$0x3] =	sbarrier.arrive $0xFFFF;
	s2 =	simm.s32 @!p0 $0x1C07  }
0x138: {  	[timem:s3], [sflag:s2] =	dma.local @!p0 [hbm:s0], s1  }
0x139: {  	s0 =	simm.s32 @!p0 $0x7  }
0x13a: {  	_ =	swait.ge @!p0 [sflag:s0], s1  }
0x13b: {  	s1 =	ssub.s32 @!p0 $0x0, s1;
	[sflag:s0] =	ssyncset.done @!p0 $0x0  }
0x13c: {  	[sflag:s0] =	ssyncadd.s32 @!p0 s1  }
0x13d: {  	[bflag:$0x3] =	sbarrier.arrive $0xFFFF  }
0x13e: {  	_ =	shalt  }

</sc_bundles>
